<compile_context>
chip_gen: v7x
topology: tpu7x:2x2x1
jax: 0.10.2.dev20260603
libtpu: 0.0.44.dev20260713+nightly
codegen_flags: <defaults>
</compile_context>

<pallas_src>
import functools
import math

import jax
import jax.numpy as jnp
import numpy as np
from jax import lax
from jax.experimental import pallas as pl
from jax.experimental.pallas import tpu as pltpu
from jax.experimental.pallas import tpu_sc as plsc

N = 10000
E = 320000
HIDDEN = 128
NF = 128
NG = 50
NI = 6
CUTOFF = 4.0

NC, NS = 2, 16
NW = NC * NS
NPAD = 10240
EPAD = 327680
EPW = EPAD // NW
ECH = 128
NCHUNK = EPW // ECH
MCH = 80
MCHUNK = EPW // MCH
RPW = NPAD // NW
RCH = 64
TROWS = NPAD // NS

_GRID = np.linspace(0.0, CUTOFF, NG)
_COEFF = float(-0.5 / (_GRID[1] - _GRID[0]) ** 2)
_LOG2 = math.log(2.0)

@functools.cache
def _mesh():
    return plsc.VectorSubcoreMesh(core_axis_name="c", subcore_axis_name="s",
                                  num_cores=NC, num_subcores=NS)


def _ssp(x):
    return jnp.maximum(x, 0.0) + jnp.log1p(jnp.exp(-jnp.abs(x))) - _LOG2



def _pre_body(posx, posy, posz, rowi, coli, zi, emb,
              dxo, dyo, dzo, h0o,
              row_all, col_all, ga, go, gsem, osem, ebuf, erows):
    c = lax.axis_index("c")
    s = lax.axis_index("s")
    wid = s * NC + c
    ebase = wid * EPW

    pltpu.sync_copy(rowi.at[pl.ds(pl.multiple_of(ebase, 8), EPW)], row_all)
    pltpu.sync_copy(coli.at[pl.ds(pl.multiple_of(ebase, 8), EPW)], col_all)

    pos3 = (posx, posy, posz)
    out3 = (dxo, dyo, dzo)

    def issue_gathers(cidx, b):
        isl = pl.ds(pl.multiple_of(cidx * ECH, 8), ECH)
        for d in range(3):
            pltpu.async_copy(pos3[d].at[row_all.at[isl]], ga.at[b, 2 * d],
                             gsem.at[b])
            pltpu.async_copy(pos3[d].at[col_all.at[isl]], ga.at[b, 2 * d + 1],
                             gsem.at[b])

    def wait_gathers(b):
        for d in range(6):
            pltpu.make_async_copy(posx.at[row_all.at[pl.ds(0, ECH)]],
                                  ga.at[b, d], gsem.at[b]).wait()

    issue_gathers(0, 0)
    issue_gathers(1, 1)

    nbase = wid * RPW

    def echunk(j, carry):
        off = pl.multiple_of(nbase + j * RCH, 8)
        pltpu.sync_copy(zi.at[pl.ds(off, RCH)], ebuf)
        pltpu.sync_copy(emb.at[ebuf], erows)
        pltpu.sync_copy(erows, h0o.at[pl.ds(off, RCH)])
        return carry

    lax.fori_loop(0, RPW // RCH, echunk, 0)

    def step(j, carry):
        b = lax.rem(j, 2)

        @pl.when(j >= 2)
        def _drain_store():
            for d in range(3):
                pltpu.make_async_copy(go.at[b, d],
                                      out3[d].at[pl.ds(0, ECH)], osem.at[b]).wait()

        wait_gathers(b)

        def sub16(k, cc):
            sl = pl.ds(k * 16, 16)
            for d in range(3):
                go[b, d, sl] = ga[b, 2 * d, sl] - ga[b, 2 * d + 1, sl]
            return cc

        lax.fori_loop(0, ECH // 16, sub16, 0)
        osl = pl.ds(pl.multiple_of(ebase + j * ECH, 8), ECH)
        for d in range(3):
            pltpu.async_copy(go.at[b, d], out3[d].at[osl], osem.at[b])

        @pl.when(j + 2 < NCHUNK)
        def _issue_next():
            issue_gathers(j + 2, b)

        return carry

    lax.fori_loop(0, NCHUNK, step, 0)
    for b in range(2):
        for d in range(3):
            pltpu.make_async_copy(go.at[b, d], out3[d].at[pl.ds(0, ECH)],
                                  osem.at[b]).wait()


@jax.jit
def _pre(posx, posy, posz, rowi, coli, zi, emb):
    f32 = jnp.float32
    return pl.kernel(
        _pre_body,
        out_type=(
            jax.ShapeDtypeStruct((EPAD,), f32),
            jax.ShapeDtypeStruct((EPAD,), f32),
            jax.ShapeDtypeStruct((EPAD,), f32),
            jax.ShapeDtypeStruct((NPAD, HIDDEN), f32),
        ),
        mesh=_mesh(),
        scratch_types=[
            pltpu.VMEM((EPW,), jnp.int32),
            pltpu.VMEM((EPW,), jnp.int32),
            pltpu.VMEM((2, 6, ECH), f32),
            pltpu.VMEM((2, 3, ECH), f32),
            pltpu.SemaphoreType.DMA((2,)),
            pltpu.SemaphoreType.DMA((2,)),
            pltpu.VMEM((RCH,), jnp.int32),
            pltpu.VMEM((RCH, HIDDEN), f32),
        ],
    )(posx, posy, posz, rowi, coli, zi, emb)



def _msg_body(xl, wf, rci, aggo,
              rc0, rc1, rc2, rc3, cv0, cv1, xr, wv, zb,
              gsem, wsem, isem, zsem, agg_sh):
    c = lax.axis_index("c")
    s = lax.axis_index("s")
    wid = s * NC + c
    rcs = (rc0, rc1, rc2, rc3)
    cvs = (cv0, cv1)

    def idx_slice(cidx):
        return pl.ds(pl.multiple_of((wid * MCHUNK + cidx) * 2 * MCH, 8),
                     2 * MCH)

    def issue_idx(cidx, q):
        pltpu.async_copy(rci.at[idx_slice(cidx)], rcs[q], isem.at[q])

    def wait_idx(q):
        pltpu.make_async_copy(rci.at[pl.ds(0, 2 * MCH)], rcs[q],
                              isem.at[q]).wait()

    def extract_cols(q, b):
        for k in range(MCH // 16):
            sl = pl.ds(MCH + k * 16, 16)
            cvs[b][pl.ds(k * 16, 16)] = rcs[q][sl]

    def issue_data(cidx, b, q):
        pltpu.async_copy(xl.at[rcs[q].at[pl.ds(0, MCH)]], xr.at[b],
                         gsem.at[b])
        pltpu.async_copy(wf.at[pl.ds(pl.multiple_of(
            (wid * MCHUNK + cidx) * MCH, 8), MCH)], wv.at[b], wsem.at[b])

    def wait_data(b):
        pltpu.make_async_copy(xl.at[rc0.at[pl.ds(0, MCH)]], xr.at[b],
                              gsem.at[b]).wait()
        pltpu.make_async_copy(wf.at[pl.ds(0, MCH)], wv.at[b],
                              wsem.at[b]).wait()

    pltpu.sync_copy(rci.at[idx_slice(0)], rc0)
    pltpu.sync_copy(rci.at[idx_slice(1)], rc1)
    issue_idx(2, 2)
    issue_idx(3, 3)
    extract_cols(0, 0)
    extract_cols(1, 1)
    issue_data(0, 0, 0)
    issue_data(1, 1, 1)

    def zrow(r, carry):
        for l in range(HIDDEN // 16):
            zb[r, pl.ds(l * 16, 16)] = jnp.zeros((16,), jnp.float32)
        return carry

    lax.fori_loop(0, 16, zrow, 0)

    def zcp(t, carry):
        pltpu.async_copy(zb, agg_sh.at[pl.ds(s * TROWS + t * 16, 16)],
                         zsem)
        return carry

    lax.fori_loop(0, TROWS // 16, zcp, 0)

    def zdrain(t, carry):
        pltpu.make_async_copy(zb, agg_sh.at[pl.ds(s * TROWS, 16)],
                              zsem).wait()
        return carry

    lax.fori_loop(0, TROWS // 16, zdrain, 0)
    plsc.subcore_barrier()

    def outer(jo, carry):
        for u in range(4):
            j = 4 * jo + u
            b = u % 2
            q = u
            q2 = (u + 2) % 4
            wait_data(b)

            @pl.when(j + 4 < MCHUNK)
            def _issue_idx_next():
                issue_idx(j + 4, q)

            def mrow(r, cc):
                for l in range(HIDDEN // 16):
                    sl = pl.ds(l * 16, 16)
                    xr[b, r, sl] = xr[b, r, sl] * wv[b, r, sl]
                return cc

            lax.fori_loop(0, MCH, mrow, 0, unroll=2)
            pltpu.sync_copy(xr.at[b], agg_sh.at[cvs[b]], add=True)

            @pl.when(j + 2 < MCHUNK)
            def _issue_data_next():
                wait_idx(q2)
                extract_cols(q2, b)
                issue_data(j + 2, b, q2)
        return carry

    lax.fori_loop(0, MCHUNK // 4, outer, 0)
    plsc.subcore_barrier()
    pltpu.sync_copy(agg_sh.at[pl.ds(s * TROWS, TROWS)],
                    aggo.at[pl.ds(c * NPAD + s * TROWS, TROWS)])


@jax.jit
def _msg(xl, wf, rci):
    f32 = jnp.float32
    return pl.kernel(
        _msg_body,
        out_type=jax.ShapeDtypeStruct((NC * NPAD, HIDDEN), f32),
        mesh=_mesh(),
        scratch_types=[
            pltpu.VMEM((2 * MCH,), jnp.int32),
            pltpu.VMEM((2 * MCH,), jnp.int32),
            pltpu.VMEM((2 * MCH,), jnp.int32),
            pltpu.VMEM((2 * MCH,), jnp.int32),
            pltpu.VMEM((MCH,), jnp.int32),
            pltpu.VMEM((MCH,), jnp.int32),
            pltpu.VMEM((2, MCH, HIDDEN), f32),
            pltpu.VMEM((2, MCH, HIDDEN), f32),
            pltpu.VMEM((16, HIDDEN), f32),
            pltpu.SemaphoreType.DMA((2,)),
            pltpu.SemaphoreType.DMA((2,)),
            pltpu.SemaphoreType.DMA((4,)),
            pltpu.SemaphoreType.DMA,
            pltpu.VMEM_SHARED((NPAD, HIDDEN), f32),
        ],
    )(xl, wf, rci)



_EB = 320
_FB = 2048
_NB = 640
_RB = 400


def _geom_body(cell, dx, dy, dz, ox, oy, oz, ew, cw):
    c00 = cell[0, 0]; c01 = cell[0, 1]; c02 = cell[0, 2]
    c10 = cell[1, 0]; c11 = cell[1, 1]; c12 = cell[1, 2]
    c20 = cell[2, 0]; c21 = cell[2, 1]; c22 = cell[2, 2]
    o0 = ox[...]; o1 = oy[...]; o2 = oz[...]
    evx = dx[...] + o0 * c00 + o1 * c10 + o2 * c20
    evy = dy[...] + o0 * c01 + o1 * c11 + o2 * c21
    evz = dz[...] + o0 * c02 + o1 * c12 + o2 * c22
    w = jnp.sqrt(evx * evx + evy * evy + evz * evz + 1e-12)
    ew[...] = w
    cw[...] = 0.5 * (jnp.cos(w * (math.pi / CUTOFF)) + 1.0)


@jax.jit
def _geom(cell, dx, dy, dz, ox, oy, oz):
    rows = EPAD // 128
    spec = pl.BlockSpec((_EB, 128), lambda i: (i, 0))
    return pl.pallas_call(
        _geom_body,
        grid=(rows // _EB,),
        in_specs=[pl.BlockSpec(memory_space=pltpu.SMEM)] + [spec] * 6,
        out_specs=[spec, spec],
        out_shape=[jax.ShapeDtypeStruct((rows, 128), jnp.float32)] * 2,
    )(cell, dx, dy, dz, ox, oy, oz)


def _filt_body(ew, cw, w1t, b1, w2t, b2, out):
    step = jnp.float32(CUTOFF / (NG - 1))
    g = lax.broadcasted_iota(jnp.int32, (1, NG), 1).astype(jnp.float32) * step
    ea = jnp.exp(_COEFF * (ew[...] - g) ** 2)
    t = jnp.dot(ea, w1t[...], preferred_element_type=jnp.float32, precision=lax.Precision.HIGHEST) + b1[...]
    t = _ssp(t)
    t = jnp.dot(t, w2t[...], preferred_element_type=jnp.float32, precision=lax.Precision.HIGHEST) + b2[...]
    out[...] = t * cw[...]


@jax.jit
def _filt(ew, cw, w1t, b1, w2t, b2):
    col = pl.BlockSpec((_FB, 1), lambda i: (i, 0))
    full = lambda shp: pl.BlockSpec(shp, lambda i: tuple(0 for _ in shp))
    return pl.pallas_call(
        _filt_body,
        grid=(EPAD // _FB,),
        in_specs=[col, col, full((NG, NF)), full((1, NF)),
                  full((NF, NF)), full((1, NF))],
        out_specs=pl.BlockSpec((_FB, NF), lambda i: (i, 0)),
        out_shape=jax.ShapeDtypeStruct((EPAD, NF), jnp.float32),
    )(ew, cw, w1t, b1, w2t, b2)


def _xl_body(h, w1t, out):
    out[...] = jnp.dot(h[...], w1t[...], preferred_element_type=jnp.float32, precision=lax.Precision.HIGHEST)


@jax.jit
def _xl(h, w1t):
    return pl.pallas_call(
        _xl_body,
        grid=(NPAD // _NB,),
        in_specs=[pl.BlockSpec((_NB, HIDDEN), lambda i: (i, 0)),
                  pl.BlockSpec((HIDDEN, NF), lambda i: (0, 0))],
        out_specs=pl.BlockSpec((_NB, NF), lambda i: (i, 0)),
        out_shape=jax.ShapeDtypeStruct((NPAD, NF), jnp.float32),
    )(h, w1t)


def _upd_body(a0, a1, h, w2t, b2, bwt, bb, out):
    agg = a0[...] + a1[...]
    xo = jnp.dot(agg, w2t[...], preferred_element_type=jnp.float32, precision=lax.Precision.HIGHEST) + b2[...]
    xo = _ssp(xo)
    xo = jnp.dot(xo, bwt[...], preferred_element_type=jnp.float32, precision=lax.Precision.HIGHEST) + bb[...]
    out[...] = h[...] + xo


@jax.jit
def _upd(a0, a1, h, w2t, b2, bwt, bb):
    nb = pl.BlockSpec((_NB, HIDDEN), lambda i: (i, 0))
    full = lambda shp: pl.BlockSpec(shp, lambda i: tuple(0 for _ in shp))
    return pl.pallas_call(
        _upd_body,
        grid=(NPAD // _NB,),
        in_specs=[nb, nb, nb, full((NF, HIDDEN)), full((1, HIDDEN)),
                  full((HIDDEN, HIDDEN)), full((1, HIDDEN))],
        out_specs=nb,
        out_shape=jax.ShapeDtypeStruct((NPAD, HIDDEN), jnp.float32),
    )(a0, a1, h, w2t, b2, bwt, bb)


def _ro_body(h, l1t, l1b, l2r, l2b, out):
    t = jnp.dot(h[...], l1t[...], preferred_element_type=jnp.float32, precision=lax.Precision.HIGHEST) + l1b[...]
    t = _ssp(t)
    part = jnp.sum(t * l2r[...])

    @pl.when(pl.program_id(0) == 0)
    def _init():
        out[...] = jnp.float32(N) * l2b[...]

    out[...] += part


@jax.jit
def _readout(h, l1t, l1b, l2r, l2b):
    full = lambda shp: pl.BlockSpec(shp, lambda i: tuple(0 for _ in shp))
    return pl.pallas_call(
        _ro_body,
        grid=(N // _RB,),
        in_specs=[pl.BlockSpec((_RB, HIDDEN), lambda i: (i, 0)),
                  full((HIDDEN, HIDDEN // 2)), full((1, HIDDEN // 2)),
                  full((1, HIDDEN // 2)), full((1, 1))],
        out_specs=full((1, 1)),
        out_shape=jax.ShapeDtypeStruct((1, 1), jnp.float32),
    )(h, l1t, l1b, l2r, l2b)



def kernel(z, pos, edge_index, offset, cell, batch, emb,
           mlp_w1, mlp_b1, mlp_w2, mlp_b2,
           conv_w1, conv_w2, conv_b2, blk_w, blk_b,
           lin1_w, lin1_b, lin2_w, lin2_b):
    f32 = jnp.float32
    row = edge_index[0].astype(jnp.int32)
    col = edge_index[1].astype(jnp.int32)
    row_p = jnp.pad(row, (0, EPAD - E))
    col_p = jnp.pad(col, (0, EPAD - E), constant_values=NPAD - 1)
    posx = jnp.pad(pos[:, 0], (0, NPAD - N)).astype(f32)
    posy = jnp.pad(pos[:, 1], (0, NPAD - N)).astype(f32)
    posz = jnp.pad(pos[:, 2], (0, NPAD - N)).astype(f32)
    z_p = jnp.pad(z.astype(jnp.int32), (0, NPAD - N))

    dx, dy, dz, h = _pre(posx, posy, posz, row_p, col_p, z_p, emb)

    rci = jnp.stack([row_p.reshape(NW, MCHUNK, MCH),
                     col_p.reshape(NW, MCHUNK, MCH)], axis=2).reshape(-1)

    rows = EPAD // 128
    offp = jnp.pad(offset.astype(f32), ((0, EPAD - E), (0, 0)))
    ox = offp[:, 0].reshape(rows, 128)
    oy = offp[:, 1].reshape(rows, 128)
    oz = offp[:, 2].reshape(rows, 128)
    ew, cw = _geom(cell.astype(f32),
                   dx.reshape(rows, 128), dy.reshape(rows, 128),
                   dz.reshape(rows, 128), ox, oy, oz)
    ew = ew.reshape(EPAD, 1)
    cw = cw.reshape(EPAD, 1)

    for i in range(NI):
        wf = _filt(ew, cw,
                   mlp_w1[i].T, mlp_b1[i].reshape(1, NF),
                   mlp_w2[i].T, mlp_b2[i].reshape(1, NF))
        xl = _xl(h, conv_w1[i].T)
        aggp = _msg(xl, wf, rci)
        h = _upd(aggp[:NPAD], aggp[NPAD:], h,
                 conv_w2[i].T, conv_b2[i].reshape(1, HIDDEN),
                 blk_w[i].T, blk_b[i].reshape(1, HIDDEN))

    out = _readout(h, lin1_w.T, lin1_b.reshape(1, HIDDEN // 2),
                   lin2_w.reshape(1, HIDDEN // 2),
                   lin2_b.reshape(1, 1))
    return out

# --- scband reference (transcript-rebuilt; emitter-appended) ---
"""Pipeline reference for scband-sch-net-39711267618821 (READ-ONLY COPY).

The authoritative reference and input builder live on the scoring server;
editing this copy changes nothing except your own understanding.
"""

import jax, jax.numpy as jnp
import numpy as np
import math

N = 10000
E = 320000
HIDDEN = 128
NF = 128
NG = 50
NI = 6
CUTOFF = 4.0


def ssp(x):
    return jax.nn.softplus(x) - math.log(2.0)


def setup_inputs(seed: int = 0) -> dict:
    key = jax.random.key(seed)
    ks = jax.random.split(key, 20)
    z = jax.random.randint(ks[0], (N,), 0, 100)
    pos = jax.random.normal(ks[1], (N, 3), dtype=jnp.float32)
    edge_index = jax.random.randint(ks[2], (2, E), 0, N)
    offset = jax.random.normal(ks[3], (E, 3), dtype=jnp.float32)
    cell = jax.random.normal(ks[4], (3, 3), dtype=jnp.float32)
    batch = jnp.zeros((N,), dtype=jnp.int32)
    s = 0.1
    emb = jax.random.normal(ks[5], (100, HIDDEN), dtype=jnp.float32) * s
    mlp_w1 = jax.random.normal(ks[6], (NI, NF, NG), dtype=jnp.float32) * s
    mlp_b1 = jnp.zeros((NI, NF), dtype=jnp.float32)
    mlp_w2 = jax.random.normal(ks[7], (NI, NF, NF), dtype=jnp.float32) * s
    mlp_b2 = jnp.zeros((NI, NF), dtype=jnp.float32)
    conv_w1 = jax.random.normal(ks[8], (NI, NF, HIDDEN), dtype=jnp.float32) * s
    conv_w2 = jax.random.normal(ks[9], (NI, HIDDEN, NF), dtype=jnp.float32) * s
    conv_b2 = jnp.zeros((NI, HIDDEN), dtype=jnp.float32)
    blk_w = jax.random.normal(ks[10], (NI, HIDDEN, HIDDEN), dtype=jnp.float32) * s
    blk_b = jnp.zeros((NI, HIDDEN), dtype=jnp.float32)
    lin1_w = jax.random.normal(ks[11], (HIDDEN // 2, HIDDEN), dtype=jnp.float32) * s
    lin1_b = jnp.zeros((HIDDEN // 2,), dtype=jnp.float32)
    lin2_w = jax.random.normal(ks[12], (1, HIDDEN // 2), dtype=jnp.float32) * s
    lin2_b = jnp.zeros((1,), dtype=jnp.float32)
    return {
        'z': z, 'pos': pos, 'edge_index': edge_index, 'offset': offset,
        'cell': cell, 'batch': batch, 'emb': emb,
        'mlp_w1': mlp_w1, 'mlp_b1': mlp_b1, 'mlp_w2': mlp_w2, 'mlp_b2': mlp_b2,
        'conv_w1': conv_w1, 'conv_w2': conv_w2, 'conv_b2': conv_b2,
        'blk_w': blk_w, 'blk_b': blk_b,
        'lin1_w': lin1_w, 'lin1_b': lin1_b, 'lin2_w': lin2_w, 'lin2_b': lin2_b,
    }


def reference(z, pos, edge_index, offset, cell, batch, emb,
              mlp_w1, mlp_b1, mlp_w2, mlp_b2,
              conv_w1, conv_w2, conv_b2, blk_w, blk_b,
              lin1_w, lin1_b, lin2_w, lin2_b):
    row = edge_index[0]
    col = edge_index[1]
    # embedding lookup (gather)
    h = emb[z]
    # PBC distance: shift edge vectors by offset projected through the cell
    edge_vec = pos[row] - pos[col] + offset @ cell
    edge_weight = jnp.sqrt(jnp.sum(edge_vec * edge_vec, axis=-1) + 1e-12)
    # Gaussian smearing
    grid = jnp.linspace(0.0, CUTOFF, NG)
    coeff = -0.5 / (grid[1] - grid[0]) ** 2
    edge_attr = jnp.exp(coeff * (edge_weight[:, None] - grid[None, :]) ** 2)
    for i in range(NI):
        # filter network on edge features
        Wf = ssp(edge_attr @ mlp_w1[i].T + mlp_b1[i]) @ mlp_w2[i].T + mlp_b2[i]
        C = 0.5 * (jnp.cos(edge_weight * math.pi / CUTOFF) + 1.0)
        Wf = Wf * C[:, None]
        # CFConv: lin1 -> gather x_j -> weighted message -> scatter-add -> lin2
        xl = h @ conv_w1[i].T
        msg = xl[row] * Wf
        agg = jax.ops.segment_sum(msg, col, num_segments=N)
        xo = agg @ conv_w2[i].T + conv_b2[i]
        xo = ssp(xo)
        xo = xo @ blk_w[i].T + blk_b[i]
        h = h + xo
    h = ssp(h @ lin1_w.T + lin1_b)
    h = h @ lin2_w.T + lin2_b
    # readout: 'add' over batch (single graph)
    out = jax.ops.segment_sum(h, batch, num_segments=1)
    return out

if __name__ == "__main__":
    import jax
    _d = setup_inputs()
    print(jax.jit(kernel)(*tuple(_d.values())))

</pallas_src>

<mosaic_0001>
#map = affine_map<(d0, d1) -> (0)>
#map1 = affine_map<(d0, d1) -> (0, 0)>
module attributes {stable_mosaic.version = 14 : i64} {
  func.func @_pre_body(%arg0: i32, %arg1: i32, %arg2: memref<10240xf32, #tpu.memory_space<hbm>>, %arg3: memref<10240xf32, #tpu.memory_space<hbm>>, %arg4: memref<10240xf32, #tpu.memory_space<hbm>>, %arg5: memref<327680xi32, #tpu.memory_space<hbm>>, %arg6: memref<327680xi32, #tpu.memory_space<hbm>>, %arg7: memref<10240xi32, #tpu.memory_space<hbm>>, %arg8: memref<100x128xf32, #tpu.memory_space<hbm>>, %arg9: memref<327680xf32, #tpu.memory_space<hbm>>, %arg10: memref<327680xf32, #tpu.memory_space<hbm>>, %arg11: memref<327680xf32, #tpu.memory_space<hbm>>, %arg12: memref<10240x128xf32, #tpu.memory_space<hbm>>, %arg13: memref<10240xi32, #tpu.memory_space<vmem>>, %arg14: memref<10240xi32, #tpu.memory_space<vmem>>, %arg15: memref<2x6x128xf32, #tpu.memory_space<vmem>>, %arg16: memref<2x3x128xf32, #tpu.memory_space<vmem>>, %arg17: memref<2x!tpu.dma_semaphore, #tpu.memory_space<semaphore_mem>>, %arg18: memref<2x!tpu.dma_semaphore, #tpu.memory_space<semaphore_mem>>, %arg19: memref<64xi32, #tpu.memory_space<vmem>>, %arg20: memref<64x128xf32, #tpu.memory_space<vmem>>) attributes {dimension_semantics = [#tpu.dimension_semantics<core_parallel>, #tpu.dimension_semantics<subcore_parallel>], iteration_bounds = array<i64: 2, 16>, scalar_prefetch = 0 : i64, scratch_operands = 8 : i64, tpu.core_type = #tpu.core_type<sc_vector_subcore>, window_params = [{transform_indices = #map}, {transform_indices = #map}, {transform_indices = #map}, {transform_indices = #map}, {transform_indices = #map}, {transform_indices = #map}, {transform_indices = #map1}, {transform_indices = #map}, {transform_indices = #map}, {transform_indices = #map}, {transform_indices = #map1}]} {
    %mul3A = arith.constant 2 : i32
    %mul3A_0 = arith.muli %arg1, %mul3A : i32
    %add3A = arith.addi %mul3A_0, %arg0 : i32
    %mul3A_1 = arith.constant 10240 : i32
    %mul3A_2 = arith.muli %add3A, %mul3A_1 : i32
    %multiple_of3A = tpu.assume_multiple %mul3A_2, 8 : i32
    "tpu.region"() ({
      %run_scoped3A = tpu.sem_alloc : memref<!tpu.dma_semaphore, #tpu.memory_space<semaphore_mem>>
      %dma_start3A_241 = tpu.memref_slice %arg5[%multiple_of3A] : memref<327680xi32, #tpu.memory_space<hbm>> -> memref<10240xi32, #tpu.memory_space<hbm>>
      %dma_start3A_242 = tpu.memref_slice %arg5[%multiple_of3A] : memref<327680xi32, #tpu.memory_space<hbm>> -> memref<10240xi32, #tpu.memory_space<hbm>>
      tpu.enqueue_dma source(%dma_start3A_242 : memref<10240xi32, #tpu.memory_space<hbm>>) target(%arg13 : memref<10240xi32, #tpu.memory_space<vmem>>) target_semaphore(%run_scoped3A : memref<!tpu.dma_semaphore, #tpu.memory_space<semaphore_mem>>)
      %dma_wait3A_243 = tpu.memref_slice %arg5[%multiple_of3A] : memref<327680xi32, #tpu.memory_space<hbm>> -> memref<10240xi32, #tpu.memory_space<hbm>>
      %dma_wait3A_244 = tpu.memref_slice %arg5[%multiple_of3A] : memref<327680xi32, #tpu.memory_space<hbm>> -> memref<10240xi32, #tpu.memory_space<hbm>>
      tpu.wait_dma2 semaphore(%run_scoped3A : memref<!tpu.dma_semaphore, #tpu.memory_space<semaphore_mem>>) src(%dma_wait3A_244 : memref<10240xi32, #tpu.memory_space<hbm>>) dst(%arg13 : memref<10240xi32, #tpu.memory_space<vmem>>)
      tpu.yield
    }) : () -> ()
    %multiple_of3A_3 = tpu.assume_multiple %mul3A_2, 8 : i32
    "tpu.region"() ({
      %run_scoped3A = tpu.sem_alloc : memref<!tpu.dma_semaphore, #tpu.memory_space<semaphore_mem>>
      %dma_start3A_241 = tpu.memref_slice %arg6[%multiple_of3A_3] : memref<327680xi32, #tpu.memory_space<hbm>> -> memref<10240xi32, #tpu.memory_space<hbm>>
      %dma_start3A_242 = tpu.memref_slice %arg6[%multiple_of3A_3] : memref<327680xi32, #tpu.memory_space<hbm>> -> memref<10240xi32, #tpu.memory_space<hbm>>
      tpu.enqueue_dma source(%dma_start3A_242 : memref<10240xi32, #tpu.memory_space<hbm>>) target(%arg14 : memref<10240xi32, #tpu.memory_space<vmem>>) target_semaphore(%run_scoped3A : memref<!tpu.dma_semaphore, #tpu.memory_space<semaphore_mem>>)
      %dma_wait3A_243 = tpu.memref_slice %arg6[%multiple_of3A_3] : memref<327680xi32, #tpu.memory_space<hbm>> -> memref<10240xi32, #tpu.memory_space<hbm>>
      %dma_wait3A_244 = tpu.memref_slice %arg6[%multiple_of3A_3] : memref<327680xi32, #tpu.memory_space<hbm>> -> memref<10240xi32, #tpu.memory_space<hbm>>
      tpu.wait_dma2 semaphore(%run_scoped3A : memref<!tpu.dma_semaphore, #tpu.memory_space<semaphore_mem>>) src(%dma_wait3A_244 : memref<10240xi32, #tpu.memory_space<hbm>>) dst(%arg14 : memref<10240xi32, #tpu.memory_space<vmem>>)
      tpu.yield
    }) : () -> ()
    %multiple_of3A_4 = arith.constant 0 : i32
    %multiple_of3A_5 = tpu.assume_multiple %multiple_of3A_4, 8 : i32
    %dma_start3A = arith.constant 0 : i32
    %dma_start3A_6 = arith.constant 0 : i32
    %dma_start3A_7 = arith.constant 0 : i32
    %dma_start3A_8 = arith.constant 0 : i32
    %dma_start3A_9 = tpu.memref_slice %arg15[%dma_start3A, %dma_start3A_6, %dma_start3A_8] : memref<2x6x128xf32, #tpu.memory_space<vmem>> -> memref<1x1x128xf32, #tpu.memory_space<vmem>>
    %dma_start3A_10 = tpu.memref_squeeze %dma_start3A_9 : memref<1x1x128xf32, #tpu.memory_space<vmem>> -> memref<128xf32, #tpu.memory_space<vmem>>
    %dma_start3A_11 = tpu.memref_slice %arg13[%multiple_of3A_5] : memref<10240xi32, #tpu.memory_space<vmem>> -> memref<128xi32, #tpu.memory_space<vmem>>
    %dma_start3A_12 = arith.constant 0 : i32
    %dma_start3A_13 = tpu.memref_slice %arg2[%dma_start3A_12] : memref<10240xf32, #tpu.memory_space<hbm>> -> memref<10240xf32, #tpu.memory_space<hbm>>
    %dma_start3A_14 = tpu.memref_slice %arg17[%dma_start3A_7] : memref<2x!tpu.dma_semaphore, #tpu.memory_space<semaphore_mem>> -> memref<1x!tpu.dma_semaphore, #tpu.memory_space<semaphore_mem>>
    %dma_start3A_15 = tpu.memref_squeeze %dma_start3A_14 : memref<1x!tpu.dma_semaphore, #tpu.memory_space<semaphore_mem>> -> memref<!tpu.dma_semaphore, #tpu.memory_space<semaphore_mem>>
    tpu.enqueue_indirect_dma source(%dma_start3A_13 : memref<10240xf32, #tpu.memory_space<hbm>>) target(%dma_start3A_10 : memref<128xf32, #tpu.memory_space<vmem>>) offsets(%dma_start3A_11 : memref<128xi32, #tpu.memory_space<vmem>>) semaphore(%dma_start3A_15 : memref<!tpu.dma_semaphore, #tpu.memory_space<semaphore_mem>>)
    %dma_start3A_16 = arith.constant 0 : i32
    %dma_start3A_17 = arith.constant 1 : i32
    %dma_start3A_18 = arith.constant 0 : i32
    %dma_start3A_19 = arith.constant 0 : i32
    %dma_start3A_20 = tpu.memref_slice %arg15[%dma_start3A_16, %dma_start3A_17, %dma_start3A_19] : memref<2x6x128xf32, #tpu.memory_space<vmem>> -> memref<1x1x128xf32, #tpu.memory_space<vmem>>
    %dma_start3A_21 = tpu.memref_squeeze %dma_start3A_20 : memref<1x1x128xf32, #tpu.memory_space<vmem>> -> memref<128xf32, #tpu.memory_space<vmem>>
    %dma_start3A_22 = tpu.memref_slice %arg14[%multiple_of3A_5] : memref<10240xi32, #tpu.memory_space<vmem>> -> memref<128xi32, #tpu.memory_space<vmem>>
    %dma_start3A_23 = arith.constant 0 : i32
    %dma_start3A_24 = tpu.memref_slice %arg2[%dma_start3A_23] : memref<10240xf32, #tpu.memory_space<hbm>> -> memref<10240xf32, #tpu.memory_space<hbm>>
    %dma_start3A_25 = tpu.memref_slice %arg17[%dma_start3A_18] : memref<2x!tpu.dma_semaphore, #tpu.memory_space<semaphore_mem>> -> memref<1x!tpu.dma_semaphore, #tpu.memory_space<semaphore_mem>>
    %dma_start3A_26 = tpu.memref_squeeze %dma_start3A_25 : memref<1x!tpu.dma_semaphore, #tpu.memory_space<semaphore_mem>> -> memref<!tpu.dma_semaphore, #tpu.memory_space<semaphore_mem>>
    tpu.enqueue_indirect_dma source(%dma_start3A_24 : memref<10240xf32, #tpu.memory_space<hbm>>) target(%dma_start3A_21 : memref<128xf32, #tpu.memory_space<vmem>>) offsets(%dma_start3A_22 : memref<128xi32, #tpu.memory_space<vmem>>) semaphore(%dma_start3A_26 : memref<!tpu.dma_semaphore, #tpu.memory_space<semaphore_mem>>)
    %dma_start3A_27 = arith.constant 0 : i32
    %dma_start3A_28 = arith.constant 2 : i32
    %dma_start3A_29 = arith.constant 0 : i32
    %dma_start3A_30 = arith.constant 0 : i32
    %dma_start3A_31 = tpu.memref_slice %arg15[%dma_start3A_27, %dma_start3A_28, %dma_start3A_30] : memref<2x6x128xf32, #tpu.memory_space<vmem>> -> memref<1x1x128xf32, #tpu.memory_space<vmem>>
    %dma_start3A_32 = tpu.memref_squeeze %dma_start3A_31 : memref<1x1x128xf32, #tpu.memory_space<vmem>> -> memref<128xf32, #tpu.memory_space<vmem>>
    %dma_start3A_33 = tpu.memref_slice %arg13[%multiple_of3A_5] : memref<10240xi32, #tpu.memory_space<vmem>> -> memref<128xi32, #tpu.memory_space<vmem>>
    %dma_start3A_34 = arith.constant 0 : i32
    %dma_start3A_35 = tpu.memref_slice %arg3[%dma_start3A_34] : memref<10240xf32, #tpu.memory_space<hbm>> -> memref<10240xf32, #tpu.memory_space<hbm>>
    %dma_start3A_36 = tpu.memref_slice %arg17[%dma_start3A_29] : memref<2x!tpu.dma_semaphore, #tpu.memory_space<semaphore_mem>> -> memref<1x!tpu.dma_semaphore, #tpu.memory_space<semaphore_mem>>
    %dma_start3A_37 = tpu.memref_squeeze %dma_start3A_36 : memref<1x!tpu.dma_semaphore, #tpu.memory_space<semaphore_mem>> -> memref<!tpu.dma_semaphore, #tpu.memory_space<semaphore_mem>>
    tpu.enqueue_indirect_dma source(%dma_start3A_35 : memref<10240xf32, #tpu.memory_space<hbm>>) target(%dma_start3A_32 : memref<128xf32, #tpu.memory_space<vmem>>) offsets(%dma_start3A_33 : memref<128xi32, #tpu.memory_space<vmem>>) semaphore(%dma_start3A_37 : memref<!tpu.dma_semaphore, #tpu.memory_space<semaphore_mem>>)
    %dma_start3A_38 = arith.constant 0 : i32
    %dma_start3A_39 = arith.constant 3 : i32
    %dma_start3A_40 = arith.constant 0 : i32
    %dma_start3A_41 = arith.constant 0 : i32
    %dma_start3A_42 = tpu.memref_slice %arg15[%dma_start3A_38, %dma_start3A_39, %dma_start3A_41] : memref<2x6x128xf32, #tpu.memory_space<vmem>> -> memref<1x1x128xf32, #tpu.memory_space<vmem>>
    %dma_start3A_43 = tpu.memref_squeeze %dma_start3A_42 : memref<1x1x128xf32, #tpu.memory_space<vmem>> -> memref<128xf32, #tpu.memory_space<vmem>>
    %dma_start3A_44 = tpu.memref_slice %arg14[%multiple_of3A_5] : memref<10240xi32, #tpu.memory_space<vmem>> -> memref<128xi32, #tpu.memory_space<vmem>>
    %dma_start3A_45 = arith.constant 0 : i32
    %dma_start3A_46 = tpu.memref_slice %arg3[%dma_start3A_45] : memref<10240xf32, #tpu.memory_space<hbm>> -> memref<10240xf32, #tpu.memory_space<hbm>>
    %dma_start3A_47 = tpu.memref_slice %arg17[%dma_start3A_40] : memref<2x!tpu.dma_semaphore, #tpu.memory_space<semaphore_mem>> -> memref<1x!tpu.dma_semaphore, #tpu.memory_space<semaphore_mem>>
    %dma_start3A_48 = tpu.memref_squeeze %dma_start3A_47 : memref<1x!tpu.dma_semaphore, #tpu.memory_space<semaphore_mem>> -> memref<!tpu.dma_semaphore, #tpu.memory_space<semaphore_mem>>
    tpu.enqueue_indirect_dma source(%dma_start3A_46 : memref<10240xf32, #tpu.memory_space<hbm>>) target(%dma_start3A_43 : memref<128xf32, #tpu.memory_space<vmem>>) offsets(%dma_start3A_44 : memref<128xi32, #tpu.memory_space<vmem>>) semaphore(%dma_start3A_48 : memref<!tpu.dma_semaphore, #tpu.memory_space<semaphore_mem>>)
    %dma_start3A_49 = arith.constant 0 : i32
    %dma_start3A_50 = arith.constant 4 : i32
    %dma_start3A_51 = arith.constant 0 : i32
    %dma_start3A_52 = arith.constant 0 : i32
    %dma_start3A_53 = tpu.memref_slice %arg15[%dma_start3A_49, %dma_start3A_50, %dma_start3A_52] : memref<2x6x128xf32, #tpu.memory_space<vmem>> -> memref<1x1x128xf32, #tpu.memory_space<vmem>>
    %dma_start3A_54 = tpu.memref_squeeze %dma_start3A_53 : memref<1x1x128xf32, #tpu.memory_space<vmem>> -> memref<128xf32, #tpu.memory_space<vmem>>
    %dma_start3A_55 = tpu.memref_slice %arg13[%multiple_of3A_5] : memref<10240xi32, #tpu.memory_space<vmem>> -> memref<128xi32, #tpu.memory_space<vmem>>
    %dma_start3A_56 = arith.constant 0 : i32
    %dma_start3A_57 = tpu.memref_slice %arg4[%dma_start3A_56] : memref<10240xf32, #tpu.memory_space<hbm>> -> memref<10240xf32, #tpu.memory_space<hbm>>
    %dma_start3A_58 = tpu.memref_slice %arg17[%dma_start3A_51] : memref<2x!tpu.dma_semaphore, #tpu.memory_space<semaphore_mem>> -> memref<1x!tpu.dma_semaphore, #tpu.memory_space<semaphore_mem>>
    %dma_start3A_59 = tpu.memref_squeeze %dma_start3A_58 : memref<1x!tpu.dma_semaphore, #tpu.memory_space<semaphore_mem>> -> memref<!tpu.dma_semaphore, #tpu.memory_space<semaphore_mem>>
    tpu.enqueue_indirect_dma source(%dma_start3A_57 : memref<10240xf32, #tpu.memory_space<hbm>>) target(%dma_start3A_54 : memref<128xf32, #tpu.memory_space<vmem>>) offsets(%dma_start3A_55 : memref<128xi32, #tpu.memory_space<vmem>>) semaphore(%dma_start3A_59 : memref<!tpu.dma_semaphore, #tpu.memory_space<semaphore_mem>>)
    %dma_start3A_60 = arith.constant 0 : i32
    %dma_start3A_61 = arith.constant 5 : i32
    %dma_start3A_62 = arith.constant 0 : i32
    %dma_start3A_63 = arith.constant 0 : i32
    %dma_start3A_64 = tpu.memref_slice %arg15[%dma_start3A_60, %dma_start3A_61, %dma_start3A_63] : memref<2x6x128xf32, #tpu.memory_space<vmem>> -> memref<1x1x128xf32, #tpu.memory_space<vmem>>
    %dma_start3A_65 = tpu.memref_squeeze %dma_start3A_64 : memref<1x1x128xf32, #tpu.memory_space<vmem>> -> memref<128xf32, #tpu.memory_space<vmem>>
    %dma_start3A_66 = tpu.memref_slice %arg14[%multiple_of3A_5] : memref<10240xi32, #tpu.memory_space<vmem>> -> memref<128xi32, #tpu.memory_space<vmem>>
    %dma_start3A_67 = arith.constant 0 : i32
    %dma_start3A_68 = tpu.memref_slice %arg4[%dma_start3A_67] : memref<10240xf32, #tpu.memory_space<hbm>> -> memref<10240xf32, #tpu.memory_space<hbm>>
    %dma_start3A_69 = tpu.memref_slice %arg17[%dma_start3A_62] : memref<2x!tpu.dma_semaphore, #tpu.memory_space<semaphore_mem>> -> memref<1x!tpu.dma_semaphore, #tpu.memory_space<semaphore_mem>>
    %dma_start3A_70 = tpu.memref_squeeze %dma_start3A_69 : memref<1x!tpu.dma_semaphore, #tpu.memory_space<semaphore_mem>> -> memref<!tpu.dma_semaphore, #tpu.memory_space<semaphore_mem>>
    tpu.enqueue_indirect_dma source(%dma_start3A_68 : memref<10240xf32, #tpu.memory_space<hbm>>) target(%dma_start3A_65 : memref<128xf32, #tpu.memory_space<vmem>>) offsets(%dma_start3A_66 : memref<128xi32, #tpu.memory_space<vmem>>) semaphore(%dma_start3A_70 : memref<!tpu.dma_semaphore, #tpu.memory_space<semaphore_mem>>)
    %multiple_of3A_71 = arith.constant 128 : i32
    %multiple_of3A_72 = tpu.assume_multiple %multiple_of3A_71, 8 : i32
    %dma_start3A_73 = arith.constant 1 : i32
    %dma_start3A_74 = arith.constant 0 : i32
    %dma_start3A_75 = arith.constant 1 : i32
    %dma_start3A_76 = arith.constant 0 : i32
    %dma_start3A_77 = tpu.memref_slice %arg15[%dma_start3A_73, %dma_start3A_74, %dma_start3A_76] : memref<2x6x128xf32, #tpu.memory_space<vmem>> -> memref<1x1x128xf32, #tpu.memory_space<vmem>>
    %dma_start3A_78 = tpu.memref_squeeze %dma_start3A_77 : memref<1x1x128xf32, #tpu.memory_space<vmem>> -> memref<128xf32, #tpu.memory_space<vmem>>
    %dma_start3A_79 = tpu.memref_slice %arg13[%multiple_of3A_72] : memref<10240xi32, #tpu.memory_space<vmem>> -> memref<128xi32, #tpu.memory_space<vmem>>
    %dma_start3A_80 = arith.constant 0 : i32
    %dma_start3A_81 = tpu.memref_slice %arg2[%dma_start3A_80] : memref<10240xf32, #tpu.memory_space<hbm>> -> memref<10240xf32, #tpu.memory_space<hbm>>
    %dma_start3A_82 = tpu.memref_slice %arg17[%dma_start3A_75] : memref<2x!tpu.dma_semaphore, #tpu.memory_space<semaphore_mem>> -> memref<1x!tpu.dma_semaphore, #tpu.memory_space<semaphore_mem>>
    %dma_start3A_83 = tpu.memref_squeeze %dma_start3A_82 : memref<1x!tpu.dma_semaphore, #tpu.memory_space<semaphore_mem>> -> memref<!tpu.dma_semaphore, #tpu.memory_space<semaphore_mem>>
    tpu.enqueue_indirect_dma source(%dma_start3A_81 : memref<10240xf32, #tpu.memory_space<hbm>>) target(%dma_start3A_78 : memref<128xf32, #tpu.memory_space<vmem>>) offsets(%dma_start3A_79 : memref<128xi32, #tpu.memory_space<vmem>>) semaphore(%dma_start3A_83 : memref<!tpu.dma_semaphore, #tpu.memory_space<semaphore_mem>>)
    %dma_start3A_84 = arith.constant 1 : i32
    %dma_start3A_85 = arith.constant 1 : i32
    %dma_start3A_86 = arith.constant 1 : i32
    %dma_start3A_87 = arith.constant 0 : i32
    %dma_start3A_88 = tpu.memref_slice %arg15[%dma_start3A_84, %dma_start3A_85, %dma_start3A_87] : memref<2x6x128xf32, #tpu.memory_space<vmem>> -> memref<1x1x128xf32, #tpu.memory_space<vmem>>
    %dma_start3A_89 = tpu.memref_squeeze %dma_start3A_88 : memref<1x1x128xf32, #tpu.memory_space<vmem>> -> memref<128xf32, #tpu.memory_space<vmem>>
    %dma_start3A_90 = tpu.memref_slice %arg14[%multiple_of3A_72] : memref<10240xi32, #tpu.memory_space<vmem>> -> memref<128xi32, #tpu.memory_space<vmem>>
    %dma_start3A_91 = arith.constant 0 : i32
    %dma_start3A_92 = tpu.memref_slice %arg2[%dma_start3A_91] : memref<10240xf32, #tpu.memory_space<hbm>> -> memref<10240xf32, #tpu.memory_space<hbm>>
    %dma_start3A_93 = tpu.memref_slice %arg17[%dma_start3A_86] : memref<2x!tpu.dma_semaphore, #tpu.memory_space<semaphore_mem>> -> memref<1x!tpu.dma_semaphore, #tpu.memory_space<semaphore_mem>>
    %dma_start3A_94 = tpu.memref_squeeze %dma_start3A_93 : memref<1x!tpu.dma_semaphore, #tpu.memory_space<semaphore_mem>> -> memref<!tpu.dma_semaphore, #tpu.memory_space<semaphore_mem>>
    tpu.enqueue_indirect_dma source(%dma_start3A_92 : memref<10240xf32, #tpu.memory_space<hbm>>) target(%dma_start3A_89 : memref<128xf32, #tpu.memory_space<vmem>>) offsets(%dma_start3A_90 : memref<128xi32, #tpu.memory_space<vmem>>) semaphore(%dma_start3A_94 : memref<!tpu.dma_semaphore, #tpu.memory_space<semaphore_mem>>)
    %dma_start3A_95 = arith.constant 1 : i32
    %dma_start3A_96 = arith.constant 2 : i32
    %dma_start3A_97 = arith.constant 1 : i32
    %dma_start3A_98 = arith.constant 0 : i32
    %dma_start3A_99 = tpu.memref_slice %arg15[%dma_start3A_95, %dma_start3A_96, %dma_start3A_98] : memref<2x6x128xf32, #tpu.memory_space<vmem>> -> memref<1x1x128xf32, #tpu.memory_space<vmem>>
    %dma_start3A_100 = tpu.memref_squeeze %dma_start3A_99 : memref<1x1x128xf32, #tpu.memory_space<vmem>> -> memref<128xf32, #tpu.memory_space<vmem>>
    %dma_start3A_101 = tpu.memref_slice %arg13[%multiple_of3A_72] : memref<10240xi32, #tpu.memory_space<vmem>> -> memref<128xi32, #tpu.memory_space<vmem>>
    %dma_start3A_102 = arith.constant 0 : i32
    %dma_start3A_103 = tpu.memref_slice %arg3[%dma_start3A_102] : memref<10240xf32, #tpu.memory_space<hbm>> -> memref<10240xf32, #tpu.memory_space<hbm>>
    %dma_start3A_104 = tpu.memref_slice %arg17[%dma_start3A_97] : memref<2x!tpu.dma_semaphore, #tpu.memory_space<semaphore_mem>> -> memref<1x!tpu.dma_semaphore, #tpu.memory_space<semaphore_mem>>
    %dma_start3A_105 = tpu.memref_squeeze %dma_start3A_104 : memref<1x!tpu.dma_semaphore, #tpu.memory_space<semaphore_mem>> -> memref<!tpu.dma_semaphore, #tpu.memory_space<semaphore_mem>>
    tpu.enqueue_indirect_dma source(%dma_start3A_103 : memref<10240xf32, #tpu.memory_space<hbm>>) target(%dma_start3A_100 : memref<128xf32, #tpu.memory_space<vmem>>) offsets(%dma_start3A_101 : memref<128xi32, #tpu.memory_space<vmem>>) semaphore(%dma_start3A_105 : memref<!tpu.dma_semaphore, #tpu.memory_space<semaphore_mem>>)
    %dma_start3A_106 = arith.constant 1 : i32
    %dma_start3A_107 = arith.constant 3 : i32
    %dma_start3A_108 = arith.constant 1 : i32
    %dma_start3A_109 = arith.constant 0 : i32
    %dma_start3A_110 = tpu.memref_slice %arg15[%dma_start3A_106, %dma_start3A_107, %dma_start3A_109] : memref<2x6x128xf32, #tpu.memory_space<vmem>> -> memref<1x1x128xf32, #tpu.memory_space<vmem>>
    %dma_start3A_111 = tpu.memref_squeeze %dma_start3A_110 : memref<1x1x128xf32, #tpu.memory_space<vmem>> -> memref<128xf32, #tpu.memory_space<vmem>>
    %dma_start3A_112 = tpu.memref_slice %arg14[%multiple_of3A_72] : memref<10240xi32, #tpu.memory_space<vmem>> -> memref<128xi32, #tpu.memory_space<vmem>>
    %dma_start3A_113 = arith.constant 0 : i32
    %dma_start3A_114 = tpu.memref_slice %arg3[%dma_start3A_113] : memref<10240xf32, #tpu.memory_space<hbm>> -> memref<10240xf32, #tpu.memory_space<hbm>>
    %dma_start3A_115 = tpu.memref_slice %arg17[%dma_start3A_108] : memref<2x!tpu.dma_semaphore, #tpu.memory_space<semaphore_mem>> -> memref<1x!tpu.dma_semaphore, #tpu.memory_space<semaphore_mem>>
    %dma_start3A_116 = tpu.memref_squeeze %dma_start3A_115 : memref<1x!tpu.dma_semaphore, #tpu.memory_space<semaphore_mem>> -> memref<!tpu.dma_semaphore, #tpu.memory_space<semaphore_mem>>
    tpu.enqueue_indirect_dma source(%dma_start3A_114 : memref<10240xf32, #tpu.memory_space<hbm>>) target(%dma_start3A_111 : memref<128xf32, #tpu.memory_space<vmem>>) offsets(%dma_start3A_112 : memref<128xi32, #tpu.memory_space<vmem>>) semaphore(%dma_start3A_116 : memref<!tpu.dma_semaphore, #tpu.memory_space<semaphore_mem>>)
    %dma_start3A_117 = arith.constant 1 : i32
    %dma_start3A_118 = arith.constant 4 : i32
    %dma_start3A_119 = arith.constant 1 : i32
    %dma_start3A_120 = arith.constant 0 : i32
    %dma_start3A_121 = tpu.memref_slice %arg15[%dma_start3A_117, %dma_start3A_118, %dma_start3A_120] : memref<2x6x128xf32, #tpu.memory_space<vmem>> -> memref<1x1x128xf32, #tpu.memory_space<vmem>>
    %dma_start3A_122 = tpu.memref_squeeze %dma_start3A_121 : memref<1x1x128xf32, #tpu.memory_space<vmem>> -> memref<128xf32, #tpu.memory_space<vmem>>
    %dma_start3A_123 = tpu.memref_slice %arg13[%multiple_of3A_72] : memref<10240xi32, #tpu.memory_space<vmem>> -> memref<128xi32, #tpu.memory_space<vmem>>
    %dma_start3A_124 = arith.constant 0 : i32
    %dma_start3A_125 = tpu.memref_slice %arg4[%dma_start3A_124] : memref<10240xf32, #tpu.memory_space<hbm>> -> memref<10240xf32, #tpu.memory_space<hbm>>
    %dma_start3A_126 = tpu.memref_slice %arg17[%dma_start3A_119] : memref<2x!tpu.dma_semaphore, #tpu.memory_space<semaphore_mem>> -> memref<1x!tpu.dma_semaphore, #tpu.memory_space<semaphore_mem>>
    %dma_start3A_127 = tpu.memref_squeeze %dma_start3A_126 : memref<1x!tpu.dma_semaphore, #tpu.memory_space<semaphore_mem>> -> memref<!tpu.dma_semaphore, #tpu.memory_space<semaphore_mem>>
    tpu.enqueue_indirect_dma source(%dma_start3A_125 : memref<10240xf32, #tpu.memory_space<hbm>>) target(%dma_start3A_122 : memref<128xf32, #tpu.memory_space<vmem>>) offsets(%dma_start3A_123 : memref<128xi32, #tpu.memory_space<vmem>>) semaphore(%dma_start3A_127 : memref<!tpu.dma_semaphore, #tpu.memory_space<semaphore_mem>>)
    %dma_start3A_128 = arith.constant 1 : i32
    %dma_start3A_129 = arith.constant 5 : i32
    %dma_start3A_130 = arith.constant 1 : i32
    %dma_start3A_131 = arith.constant 0 : i32
    %dma_start3A_132 = tpu.memref_slice %arg15[%dma_start3A_128, %dma_start3A_129, %dma_start3A_131] : memref<2x6x128xf32, #tpu.memory_space<vmem>> -> memref<1x1x128xf32, #tpu.memory_space<vmem>>
    %dma_start3A_133 = tpu.memref_squeeze %dma_start3A_132 : memref<1x1x128xf32, #tpu.memory_space<vmem>> -> memref<128xf32, #tpu.memory_space<vmem>>
    %dma_start3A_134 = tpu.memref_slice %arg14[%multiple_of3A_72] : memref<10240xi32, #tpu.memory_space<vmem>> -> memref<128xi32, #tpu.memory_space<vmem>>
    %dma_start3A_135 = arith.constant 0 : i32
    %dma_start3A_136 = tpu.memref_slice %arg4[%dma_start3A_135] : memref<10240xf32, #tpu.memory_space<hbm>> -> memref<10240xf32, #tpu.memory_space<hbm>>
    %dma_start3A_137 = tpu.memref_slice %arg17[%dma_start3A_130] : memref<2x!tpu.dma_semaphore, #tpu.memory_space<semaphore_mem>> -> memref<1x!tpu.dma_semaphore, #tpu.memory_space<semaphore_mem>>
    %dma_start3A_138 = tpu.memref_squeeze %dma_start3A_137 : memref<1x!tpu.dma_semaphore, #tpu.memory_space<semaphore_mem>> -> memref<!tpu.dma_semaphore, #tpu.memory_space<semaphore_mem>>
    tpu.enqueue_indirect_dma source(%dma_start3A_136 : memref<10240xf32, #tpu.memory_space<hbm>>) target(%dma_start3A_133 : memref<128xf32, #tpu.memory_space<vmem>>) offsets(%dma_start3A_134 : memref<128xi32, #tpu.memory_space<vmem>>) semaphore(%dma_start3A_138 : memref<!tpu.dma_semaphore, #tpu.memory_space<semaphore_mem>>)
    %mul3A_139 = arith.constant 320 : i32
    %mul3A_140 = arith.muli %add3A, %mul3A_139 : i32
    %scan3A = arith.constant 0 : i32
    %scan3A_141 = arith.constant 0 : i32
    %scan3A_142 = arith.constant 5 : i32
    %scan3A_143 = arith.addi %scan3A_141, %scan3A_142 : i32
    %scan3A_144 = arith.constant 1 : i32
    scf.for %scan3A_241 = %scan3A_141 to %scan3A_143 step %scan3A_144  : i32 {
      %mul3A_242 = arith.constant 64 : i32
      %mul3A_243 = arith.muli %scan3A_241, %mul3A_242 : i32
      %add3A_244 = arith.addi %mul3A_140, %mul3A_243 : i32
      %multiple_of3A_245 = tpu.assume_multiple %add3A_244, 8 : i32
      "tpu.region"() ({
        %run_scoped3A = tpu.sem_alloc : memref<!tpu.dma_semaphore, #tpu.memory_space<semaphore_mem>>
        %dma_start3A_246 = tpu.memref_slice %arg7[%multiple_of3A_245] : memref<10240xi32, #tpu.memory_space<hbm>> -> memref<64xi32, #tpu.memory_space<hbm>>
        %dma_start3A_247 = tpu.memref_slice %arg7[%multiple_of3A_245] : memref<10240xi32, #tpu.memory_space<hbm>> -> memref<64xi32, #tpu.memory_space<hbm>>
        tpu.enqueue_dma source(%dma_start3A_247 : memref<64xi32, #tpu.memory_space<hbm>>) target(%arg19 : memref<64xi32, #tpu.memory_space<vmem>>) target_semaphore(%run_scoped3A : memref<!tpu.dma_semaphore, #tpu.memory_space<semaphore_mem>>)
        %dma_wait3A_248 = tpu.memref_slice %arg7[%multiple_of3A_245] : memref<10240xi32, #tpu.memory_space<hbm>> -> memref<64xi32, #tpu.memory_space<hbm>>
        %dma_wait3A_249 = tpu.memref_slice %arg7[%multiple_of3A_245] : memref<10240xi32, #tpu.memory_space<hbm>> -> memref<64xi32, #tpu.memory_space<hbm>>
        tpu.wait_dma2 semaphore(%run_scoped3A : memref<!tpu.dma_semaphore, #tpu.memory_space<semaphore_mem>>) src(%dma_wait3A_249 : memref<64xi32, #tpu.memory_space<hbm>>) dst(%arg19 : memref<64xi32, #tpu.memory_space<vmem>>)
        tpu.yield
      }) : () -> ()
      "tpu.region"() ({
        %run_scoped3A = tpu.sem_alloc : memref<!tpu.dma_semaphore, #tpu.memory_space<semaphore_mem>>
        %dma_start3A_246 = arith.constant 0 : i32
        %dma_start3A_247 = arith.constant 0 : i32
        %dma_start3A_248 = tpu.memref_slice %arg8[%dma_start3A_246, %dma_start3A_247] : memref<100x128xf32, #tpu.memory_space<hbm>> -> memref<100x128xf32, #tpu.memory_space<hbm>>
        tpu.enqueue_indirect_dma source(%dma_start3A_248 : memref<100x128xf32, #tpu.memory_space<hbm>>) target(%arg20 : memref<64x128xf32, #tpu.memory_space<vmem>>) offsets(%arg19 : memref<64xi32, #tpu.memory_space<vmem>>) semaphore(%run_scoped3A : memref<!tpu.dma_semaphore, #tpu.memory_space<semaphore_mem>>)
        %dma_wait3A_249 = arith.constant 0 : i32
        %dma_wait3A_250 = arith.constant 0 : i32
        %dma_wait3A_251 = tpu.memref_slice %arg8[%dma_wait3A_249, %dma_wait3A_250] : memref<100x128xf32, #tpu.memory_space<hbm>> -> memref<100x128xf32, #tpu.memory_space<hbm>>
        tpu.wait_indirect_dma semaphore(%run_scoped3A : memref<!tpu.dma_semaphore, #tpu.memory_space<semaphore_mem>>) src(%dma_wait3A_251 : memref<100x128xf32, #tpu.memory_space<hbm>>) dst(%arg20 : memref<64x128xf32, #tpu.memory_space<vmem>>)
        tpu.yield
      }) : () -> ()
      "tpu.region"() ({
        %run_scoped3A = tpu.sem_alloc : memref<!tpu.dma_semaphore, #tpu.memory_space<semaphore_mem>>
        %dma_start3A_246 = arith.constant 0 : i32
        %dma_start3A_247 = tpu.memref_slice %arg12[%multiple_of3A_245, %dma_start3A_246] : memref<10240x128xf32, #tpu.memory_space<hbm>> -> memref<64x128xf32, #tpu.memory_space<hbm>>
        %dma_start3A_248 = arith.constant 0 : i32
        %dma_start3A_249 = tpu.memref_slice %arg12[%multiple_of3A_245, %dma_start3A_248] : memref<10240x128xf32, #tpu.memory_space<hbm>> -> memref<64x128xf32, #tpu.memory_space<hbm>>
        tpu.enqueue_dma source(%arg20 : memref<64x128xf32, #tpu.memory_space<vmem>>) target(%dma_start3A_249 : memref<64x128xf32, #tpu.memory_space<hbm>>) target_semaphore(%run_scoped3A : memref<!tpu.dma_semaphore, #tpu.memory_space<semaphore_mem>>)
        %dma_wait3A_250 = arith.constant 0 : i32
        %dma_wait3A_251 = tpu.memref_slice %arg12[%multiple_of3A_245, %dma_wait3A_250] : memref<10240x128xf32, #tpu.memory_space<hbm>> -> memref<64x128xf32, #tpu.memory_space<hbm>>
        %dma_wait3A_252 = arith.constant 0 : i32
        %dma_wait3A_253 = tpu.memref_slice %arg12[%multiple_of3A_245, %dma_wait3A_252] : memref<10240x128xf32, #tpu.memory_space<hbm>> -> memref<64x128xf32, #tpu.memory_space<hbm>>
        tpu.wait_dma2 semaphore(%run_scoped3A : memref<!tpu.dma_semaphore, #tpu.memory_space<semaphore_mem>>) src(%arg20 : memref<64x128xf32, #tpu.memory_space<vmem>>) dst(%dma_wait3A_253 : memref<64x128xf32, #tpu.memory_space<hbm>>)
        tpu.yield
      }) : () -> ()
    }
    %scan3A_145 = arith.constant 5 : i32
    %scan3A_146 = arith.constant 0 : i32
    %scan3A_147 = arith.constant 0 : i32
    %scan3A_148 = arith.constant 80 : i32
    %scan3A_149 = arith.addi %scan3A_147, %scan3A_148 : i32
    %scan3A_150 = arith.constant 1 : i32
    scf.for %scan3A_241 = %scan3A_147 to %scan3A_149 step %scan3A_150  : i32 {
      %rem3A = arith.constant 2 : i32
      %rem3A_242 = arith.remsi %scan3A_241, %rem3A : i32
      %ge3A = arith.constant 2 : i32
      %ge3A_243 = arith.cmpi sge, %scan3A_241, %ge3A : i32
      %convert_element_type3A = arith.extui %ge3A_243 : i1 to i32
      %cond3A = arith.constant 0 : i32
      %cond3A_244 = arith.cmpi ne, %convert_element_type3A, %cond3A : i32
      scf.if %cond3A_244 {
        %dma_wait3A_354 = arith.constant 0 : i32
        %dma_wait3A_355 = arith.constant 0 : i32
        %dma_wait3A_356 = tpu.memref_slice %arg16[%rem3A_242, %dma_wait3A_354, %dma_wait3A_355] : memref<2x3x128xf32, #tpu.memory_space<vmem>> -> memref<1x1x128xf32, #tpu.memory_space<vmem>>
        %dma_wait3A_357 = tpu.memref_squeeze %dma_wait3A_356 : memref<1x1x128xf32, #tpu.memory_space<vmem>> -> memref<128xf32, #tpu.memory_space<vmem>>
        %dma_wait3A_358 = arith.constant 0 : i32
        %dma_wait3A_359 = tpu.memref_slice %arg9[%dma_wait3A_358] : memref<327680xf32, #tpu.memory_space<hbm>> -> memref<128xf32, #tpu.memory_space<hbm>>
        %dma_wait3A_360 = tpu.memref_slice %arg18[%rem3A_242] : memref<2x!tpu.dma_semaphore, #tpu.memory_space<semaphore_mem>> -> memref<1x!tpu.dma_semaphore, #tpu.memory_space<semaphore_mem>>
        %dma_wait3A_361 = tpu.memref_squeeze %dma_wait3A_360 : memref<1x!tpu.dma_semaphore, #tpu.memory_space<semaphore_mem>> -> memref<!tpu.dma_semaphore, #tpu.memory_space<semaphore_mem>>
        %dma_wait3A_362 = arith.constant 0 : i32
        %dma_wait3A_363 = tpu.memref_slice %arg9[%dma_wait3A_362] : memref<327680xf32, #tpu.memory_space<hbm>> -> memref<128xf32, #tpu.memory_space<hbm>>
        %dma_wait3A_364 = arith.constant 0 : i32
        %dma_wait3A_365 = tpu.memref_slice %arg16[%rem3A_242, %dma_wait3A_354, %dma_wait3A_364] : memref<2x3x128xf32, #tpu.memory_space<vmem>> -> memref<1x1x128xf32, #tpu.memory_space<vmem>>
        %dma_wait3A_366 = tpu.memref_squeeze %dma_wait3A_365 : memref<1x1x128xf32, #tpu.memory_space<vmem>> -> memref<128xf32, #tpu.memory_space<vmem>>
        tpu.wait_dma2 semaphore(%dma_wait3A_361 : memref<!tpu.dma_semaphore, #tpu.memory_space<semaphore_mem>>) src(%dma_wait3A_366 : memref<128xf32, #tpu.memory_space<vmem>>) dst(%dma_wait3A_363 : memref<128xf32, #tpu.memory_space<hbm>>)
        %dma_wait3A_367 = arith.constant 1 : i32
        %dma_wait3A_368 = arith.constant 0 : i32
        %dma_wait3A_369 = tpu.memref_slice %arg16[%rem3A_242, %dma_wait3A_367, %dma_wait3A_368] : memref<2x3x128xf32, #tpu.memory_space<vmem>> -> memref<1x1x128xf32, #tpu.memory_space<vmem>>
        %dma_wait3A_370 = tpu.memref_squeeze %dma_wait3A_369 : memref<1x1x128xf32, #tpu.memory_space<vmem>> -> memref<128xf32, #tpu.memory_space<vmem>>
        %dma_wait3A_371 = arith.constant 0 : i32
        %dma_wait3A_372 = tpu.memref_slice %arg10[%dma_wait3A_371] : memref<327680xf32, #tpu.memory_space<hbm>> -> memref<128xf32, #tpu.memory_space<hbm>>
        %dma_wait3A_373 = tpu.memref_slice %arg18[%rem3A_242] : memref<2x!tpu.dma_semaphore, #tpu.memory_space<semaphore_mem>> -> memref<1x!tpu.dma_semaphore, #tpu.memory_space<semaphore_mem>>
        %dma_wait3A_374 = tpu.memref_squeeze %dma_wait3A_373 : memref<1x!tpu.dma_semaphore, #tpu.memory_space<semaphore_mem>> -> memref<!tpu.dma_semaphore, #tpu.memory_space<semaphore_mem>>
        %dma_wait3A_375 = arith.constant 0 : i32
        %dma_wait3A_376 = tpu.memref_slice %arg10[%dma_wait3A_375] : memref<327680xf32, #tpu.memory_space<hbm>> -> memref<128xf32, #tpu.memory_space<hbm>>
        %dma_wait3A_377 = arith.constant 0 : i32
        %dma_wait3A_378 = tpu.memref_slice %arg16[%rem3A_242, %dma_wait3A_367, %dma_wait3A_377] : memref<2x3x128xf32, #tpu.memory_space<vmem>> -> memref<1x1x128xf32, #tpu.memory_space<vmem>>
        %dma_wait3A_379 = tpu.memref_squeeze %dma_wait3A_378 : memref<1x1x128xf32, #tpu.memory_space<vmem>> -> memref<128xf32, #tpu.memory_space<vmem>>
        tpu.wait_dma2 semaphore(%dma_wait3A_374 : memref<!tpu.dma_semaphore, #tpu.memory_space<semaphore_mem>>) src(%dma_wait3A_379 : memref<128xf32, #tpu.memory_space<vmem>>) dst(%dma_wait3A_376 : memref<128xf32, #tpu.memory_space<hbm>>)
        %dma_wait3A_380 = arith.constant 2 : i32
        %dma_wait3A_381 = arith.constant 0 : i32
        %dma_wait3A_382 = tpu.memref_slice %arg16[%rem3A_242, %dma_wait3A_380, %dma_wait3A_381] : memref<2x3x128xf32, #tpu.memory_space<vmem>> -> memref<1x1x128xf32, #tpu.memory_space<vmem>>
        %dma_wait3A_383 = tpu.memref_squeeze %dma_wait3A_382 : memref<1x1x128xf32, #tpu.memory_space<vmem>> -> memref<128xf32, #tpu.memory_space<vmem>>
        %dma_wait3A_384 = arith.constant 0 : i32
        %dma_wait3A_385 = tpu.memref_slice %arg11[%dma_wait3A_384] : memref<327680xf32, #tpu.memory_space<hbm>> -> memref<128xf32, #tpu.memory_space<hbm>>
        %dma_wait3A_386 = tpu.memref_slice %arg18[%rem3A_242] : memref<2x!tpu.dma_semaphore, #tpu.memory_space<semaphore_mem>> -> memref<1x!tpu.dma_semaphore, #tpu.memory_space<semaphore_mem>>
        %dma_wait3A_387 = tpu.memref_squeeze %dma_wait3A_386 : memref<1x!tpu.dma_semaphore, #tpu.memory_space<semaphore_mem>> -> memref<!tpu.dma_semaphore, #tpu.memory_space<semaphore_mem>>
        %dma_wait3A_388 = arith.constant 0 : i32
        %dma_wait3A_389 = tpu.memref_slice %arg11[%dma_wait3A_388] : memref<327680xf32, #tpu.memory_space<hbm>> -> memref<128xf32, #tpu.memory_space<hbm>>
        %dma_wait3A_390 = arith.constant 0 : i32
        %dma_wait3A_391 = tpu.memref_slice %arg16[%rem3A_242, %dma_wait3A_380, %dma_wait3A_390] : memref<2x3x128xf32, #tpu.memory_space<vmem>> -> memref<1x1x128xf32, #tpu.memory_space<vmem>>
        %dma_wait3A_392 = tpu.memref_squeeze %dma_wait3A_391 : memref<1x1x128xf32, #tpu.memory_space<vmem>> -> memref<128xf32, #tpu.memory_space<vmem>>
        tpu.wait_dma2 semaphore(%dma_wait3A_387 : memref<!tpu.dma_semaphore, #tpu.memory_space<semaphore_mem>>) src(%dma_wait3A_392 : memref<128xf32, #tpu.memory_space<vmem>>) dst(%dma_wait3A_389 : memref<128xf32, #tpu.memory_space<hbm>>)
      } else {
      }
      %dma_wait3A_245 = arith.constant 0 : i32
      %dma_wait3A_246 = arith.constant 0 : i32
      %dma_wait3A_247 = tpu.memref_slice %arg15[%rem3A_242, %dma_wait3A_245, %dma_wait3A_246] : memref<2x6x128xf32, #tpu.memory_space<vmem>> -> memref<1x1x128xf32, #tpu.memory_space<vmem>>
      %dma_wait3A_248 = tpu.memref_squeeze %dma_wait3A_247 : memref<1x1x128xf32, #tpu.memory_space<vmem>> -> memref<128xf32, #tpu.memory_space<vmem>>
      %dma_wait3A_249 = arith.constant 0 : i32
      %dma_wait3A_250 = tpu.memref_slice %arg13[%dma_wait3A_249] : memref<10240xi32, #tpu.memory_space<vmem>> -> memref<128xi32, #tpu.memory_space<vmem>>
      %dma_wait3A_251 = arith.constant 0 : i32
      %dma_wait3A_252 = tpu.memref_slice %arg2[%dma_wait3A_251] : memref<10240xf32, #tpu.memory_space<hbm>> -> memref<10240xf32, #tpu.memory_space<hbm>>
      %dma_wait3A_253 = tpu.memref_slice %arg17[%rem3A_242] : memref<2x!tpu.dma_semaphore, #tpu.memory_space<semaphore_mem>> -> memref<1x!tpu.dma_semaphore, #tpu.memory_space<semaphore_mem>>
      %dma_wait3A_254 = tpu.memref_squeeze %dma_wait3A_253 : memref<1x!tpu.dma_semaphore, #tpu.memory_space<semaphore_mem>> -> memref<!tpu.dma_semaphore, #tpu.memory_space<semaphore_mem>>
      tpu.wait_indirect_dma semaphore(%dma_wait3A_254 : memref<!tpu.dma_semaphore, #tpu.memory_space<semaphore_mem>>) src(%dma_wait3A_252 : memref<10240xf32, #tpu.memory_space<hbm>>) dst(%dma_wait3A_248 : memref<128xf32, #tpu.memory_space<vmem>>)
      %dma_wait3A_255 = arith.constant 1 : i32
      %dma_wait3A_256 = arith.constant 0 : i32
      %dma_wait3A_257 = tpu.memref_slice %arg15[%rem3A_242, %dma_wait3A_255, %dma_wait3A_256] : memref<2x6x128xf32, #tpu.memory_space<vmem>> -> memref<1x1x128xf32, #tpu.memory_space<vmem>>
      %dma_wait3A_258 = tpu.memref_squeeze %dma_wait3A_257 : memref<1x1x128xf32, #tpu.memory_space<vmem>> -> memref<128xf32, #tpu.memory_space<vmem>>
      %dma_wait3A_259 = arith.constant 0 : i32
      %dma_wait3A_260 = tpu.memref_slice %arg13[%dma_wait3A_259] : memref<10240xi32, #tpu.memory_space<vmem>> -> memref<128xi32, #tpu.memory_space<vmem>>
      %dma_wait3A_261 = arith.constant 0 : i32
      %dma_wait3A_262 = tpu.memref_slice %arg2[%dma_wait3A_261] : memref<10240xf32, #tpu.memory_space<hbm>> -> memref<10240xf32, #tpu.memory_space<hbm>>
      %dma_wait3A_263 = tpu.memref_slice %arg17[%rem3A_242] : memref<2x!tpu.dma_semaphore, #tpu.memory_space<semaphore_mem>> -> memref<1x!tpu.dma_semaphore, #tpu.memory_space<semaphore_mem>>
      %dma_wait3A_264 = tpu.memref_squeeze %dma_wait3A_263 : memref<1x!tpu.dma_semaphore, #tpu.memory_space<semaphore_mem>> -> memref<!tpu.dma_semaphore, #tpu.memory_space<semaphore_mem>>
      tpu.wait_indirect_dma semaphore(%dma_wait3A_264 : memref<!tpu.dma_semaphore, #tpu.memory_space<semaphore_mem>>) src(%dma_wait3A_262 : memref<10240xf32, #tpu.memory_space<hbm>>) dst(%dma_wait3A_258 : memref<128xf32, #tpu.memory_space<vmem>>)
      %dma_wait3A_265 = arith.constant 2 : i32
      %dma_wait3A_266 = arith.constant 0 : i32
      %dma_wait3A_267 = tpu.memref_slice %arg15[%rem3A_242, %dma_wait3A_265, %dma_wait3A_266] : memref<2x6x128xf32, #tpu.memory_space<vmem>> -> memref<1x1x128xf32, #tpu.memory_space<vmem>>
      %dma_wait3A_268 = tpu.memref_squeeze %dma_wait3A_267 : memref<1x1x128xf32, #tpu.memory_space<vmem>> -> memref<128xf32, #tpu.memory_space<vmem>>
      %dma_wait3A_269 = arith.constant 0 : i32
      %dma_wait3A_270 = tpu.memref_slice %arg13[%dma_wait3A_269] : memref<10240xi32, #tpu.memory_space<vmem>> -> memref<128xi32, #tpu.memory_space<vmem>>
      %dma_wait3A_271 = arith.constant 0 : i32
      %dma_wait3A_272 = tpu.memref_slice %arg2[%dma_wait3A_271] : memref<10240xf32, #tpu.memory_space<hbm>> -> memref<10240xf32, #tpu.memory_space<hbm>>
      %dma_wait3A_273 = tpu.memref_slice %arg17[%rem3A_242] : memref<2x!tpu.dma_semaphore, #tpu.memory_space<semaphore_mem>> -> memref<1x!tpu.dma_semaphore, #tpu.memory_space<semaphore_mem>>
      %dma_wait3A_274 = tpu.memref_squeeze %dma_wait3A_273 : memref<1x!tpu.dma_semaphore, #tpu.memory_space<semaphore_mem>> -> memref<!tpu.dma_semaphore, #tpu.memory_space<semaphore_mem>>
      tpu.wait_indirect_dma semaphore(%dma_wait3A_274 : memref<!tpu.dma_semaphore, #tpu.memory_space<semaphore_mem>>) src(%dma_wait3A_272 : memref<10240xf32, #tpu.memory_space<hbm>>) dst(%dma_wait3A_268 : memref<128xf32, #tpu.memory_space<vmem>>)
      %dma_wait3A_275 = arith.constant 3 : i32
      %dma_wait3A_276 = arith.constant 0 : i32
      %dma_wait3A_277 = tpu.memref_slice %arg15[%rem3A_242, %dma_wait3A_275, %dma_wait3A_276] : memref<2x6x128xf32, #tpu.memory_space<vmem>> -> memref<1x1x128xf32, #tpu.memory_space<vmem>>
      %dma_wait3A_278 = tpu.memref_squeeze %dma_wait3A_277 : memref<1x1x128xf32, #tpu.memory_space<vmem>> -> memref<128xf32, #tpu.memory_space<vmem>>
      %dma_wait3A_279 = arith.constant 0 : i32
      %dma_wait3A_280 = tpu.memref_slice %arg13[%dma_wait3A_279] : memref<10240xi32, #tpu.memory_space<vmem>> -> memref<128xi32, #tpu.memory_space<vmem>>
      %dma_wait3A_281 = arith.constant 0 : i32
      %dma_wait3A_282 = tpu.memref_slice %arg2[%dma_wait3A_281] : memref<10240xf32, #tpu.memory_space<hbm>> -> memref<10240xf32, #tpu.memory_space<hbm>>
      %dma_wait3A_283 = tpu.memref_slice %arg17[%rem3A_242] : memref<2x!tpu.dma_semaphore, #tpu.memory_space<semaphore_mem>> -> memref<1x!tpu.dma_semaphore, #tpu.memory_space<semaphore_mem>>
      %dma_wait3A_284 = tpu.memref_squeeze %dma_wait3A_283 : memref<1x!tpu.dma_semaphore, #tpu.memory_space<semaphore_mem>> -> memref<!tpu.dma_semaphore, #tpu.memory_space<semaphore_mem>>
      tpu.wait_indirect_dma semaphore(%dma_wait3A_284 : memref<!tpu.dma_semaphore, #tpu.memory_space<semaphore_mem>>) src(%dma_wait3A_282 : memref<10240xf32, #tpu.memory_space<hbm>>) dst(%dma_wait3A_278 : memref<128xf32, #tpu.memory_space<vmem>>)
      %dma_wait3A_285 = arith.constant 4 : i32
      %dma_wait3A_286 = arith.constant 0 : i32
      %dma_wait3A_287 = tpu.memref_slice %arg15[%rem3A_242, %dma_wait3A_285, %dma_wait3A_286] : memref<2x6x128xf32, #tpu.memory_space<vmem>> -> memref<1x1x128xf32, #tpu.memory_space<vmem>>
      %dma_wait3A_288 = tpu.memref_squeeze %dma_wait3A_287 : memref<1x1x128xf32, #tpu.memory_space<vmem>> -> memref<128xf32, #tpu.memory_space<vmem>>
      %dma_wait3A_289 = arith.constant 0 : i32
      %dma_wait3A_290 = tpu.memref_slice %arg13[%dma_wait3A_289] : memref<10240xi32, #tpu.memory_space<vmem>> -> memref<128xi32, #tpu.memory_space<vmem>>
      %dma_wait3A_291 = arith.constant 0 : i32
      %dma_wait3A_292 = tpu.memref_slice %arg2[%dma_wait3A_291] : memref<10240xf32, #tpu.memory_space<hbm>> -> memref<10240xf32, #tpu.memory_space<hbm>>
      %dma_wait3A_293 = tpu.memref_slice %arg17[%rem3A_242] : memref<2x!tpu.dma_semaphore, #tpu.memory_space<semaphore_mem>> -> memref<1x!tpu.dma_semaphore, #tpu.memory_space<semaphore_mem>>
      %dma_wait3A_294 = tpu.memref_squeeze %dma_wait3A_293 : memref<1x!tpu.dma_semaphore, #tpu.memory_space<semaphore_mem>> -> memref<!tpu.dma_semaphore, #tpu.memory_space<semaphore_mem>>
      tpu.wait_indirect_dma semaphore(%dma_wait3A_294 : memref<!tpu.dma_semaphore, #tpu.memory_space<semaphore_mem>>) src(%dma_wait3A_292 : memref<10240xf32, #tpu.memory_space<hbm>>) dst(%dma_wait3A_288 : memref<128xf32, #tpu.memory_space<vmem>>)
      %dma_wait3A_295 = arith.constant 5 : i32
      %dma_wait3A_296 = arith.constant 0 : i32
      %dma_wait3A_297 = tpu.memref_slice %arg15[%rem3A_242, %dma_wait3A_295, %dma_wait3A_296] : memref<2x6x128xf32, #tpu.memory_space<vmem>> -> memref<1x1x128xf32, #tpu.memory_space<vmem>>
      %dma_wait3A_298 = tpu.memref_squeeze %dma_wait3A_297 : memref<1x1x128xf32, #tpu.memory_space<vmem>> -> memref<128xf32, #tpu.memory_space<vmem>>
      %dma_wait3A_299 = arith.constant 0 : i32
      %dma_wait3A_300 = tpu.memref_slice %arg13[%dma_wait3A_299] : memref<10240xi32, #tpu.memory_space<vmem>> -> memref<128xi32, #tpu.memory_space<vmem>>
      %dma_wait3A_301 = arith.constant 0 : i32
      %dma_wait3A_302 = tpu.memref_slice %arg2[%dma_wait3A_301] : memref<10240xf32, #tpu.memory_space<hbm>> -> memref<10240xf32, #tpu.memory_space<hbm>>
      %dma_wait3A_303 = tpu.memref_slice %arg17[%rem3A_242] : memref<2x!tpu.dma_semaphore, #tpu.memory_space<semaphore_mem>> -> memref<1x!tpu.dma_semaphore, #tpu.memory_space<semaphore_mem>>
      %dma_wait3A_304 = tpu.memref_squeeze %dma_wait3A_303 : memref<1x!tpu.dma_semaphore, #tpu.memory_space<semaphore_mem>> -> memref<!tpu.dma_semaphore, #tpu.memory_space<semaphore_mem>>
      tpu.wait_indirect_dma semaphore(%dma_wait3A_304 : memref<!tpu.dma_semaphore, #tpu.memory_space<semaphore_mem>>) src(%dma_wait3A_302 : memref<10240xf32, #tpu.memory_space<hbm>>) dst(%dma_wait3A_298 : memref<128xf32, #tpu.memory_space<vmem>>)
      %scan3A_305 = arith.constant 0 : i32
      %scan3A_306 = arith.constant 0 : i32
      %scan3A_307 = arith.constant 8 : i32
      %scan3A_308 = arith.addi %scan3A_306, %scan3A_307 : i32
      %scan3A_309 = arith.constant 1 : i32
      scf.for %scan3A_354 = %scan3A_306 to %scan3A_308 step %scan3A_309  : i32 {
        %mul3A_355 = arith.constant 16 : i32
        %mul3A_356 = arith.muli %scan3A_354, %mul3A_355 : i32
        %get3A = arith.constant 0 : i32
        %get3A_357 = arith.index_cast %rem3A_242 : i32 to index
        %get3A_358 = arith.index_cast %get3A : i32 to index
        %get3A_359 = arith.index_cast %mul3A_356 : i32 to index
        %get3A_360 = tpu.vector_load %arg15[%get3A_357, %get3A_358, %get3A_359] {strides = array<i32>} : memref<2x6x128xf32, #tpu.memory_space<vmem>>, vector<1x1x16xf32>,
        %get3A_361 = vector.shape_cast %get3A_360 : vector<1x1x16xf32> to vector<16xf32>
        %get3A_362 = arith.constant 1 : i32
        %get3A_363 = arith.index_cast %rem3A_242 : i32 to index
        %get3A_364 = arith.index_cast %get3A_362 : i32 to index
        %get3A_365 = arith.index_cast %mul3A_356 : i32 to index
        %get3A_366 = tpu.vector_load %arg15[%get3A_363, %get3A_364, %get3A_365] {strides = array<i32>} : memref<2x6x128xf32, #tpu.memory_space<vmem>>, vector<1x1x16xf32>,
        %get3A_367 = vector.shape_cast %get3A_366 : vector<1x1x16xf32> to vector<16xf32>
        %sub3A = arith.subf %get3A_361, %get3A_367 : vector<16xf32>
        %swap3A = arith.constant 0 : i32
        %swap3A_368 = arith.index_cast %rem3A_242 : i32 to index
        %swap3A_369 = arith.index_cast %swap3A : i32 to index
        %swap3A_370 = arith.index_cast %mul3A_356 : i32 to index
        %swap3A_371 = tpu.vector_load %arg16[%swap3A_368, %swap3A_369, %swap3A_370] {strides = array<i32>} : memref<2x3x128xf32, #tpu.memory_space<vmem>>, vector<1x1x16xf32>,
        %swap3A_372 = vector.shape_cast %swap3A_371 : vector<1x1x16xf32> to vector<16xf32>
        %swap3A_373 = vector.shape_cast %sub3A : vector<16xf32> to vector<1x1x16xf32>
        tpu.vector_store %arg16[%swap3A_368, %swap3A_369, %swap3A_370], %swap3A_373 {strides = array<i32>} : memref<2x3x128xf32, #tpu.memory_space<vmem>>, vector<1x1x16xf32>,
        %get3A_374 = arith.constant 2 : i32
        %get3A_375 = arith.index_cast %rem3A_242 : i32 to index
        %get3A_376 = arith.index_cast %get3A_374 : i32 to index
        %get3A_377 = arith.index_cast %mul3A_356 : i32 to index
        %get3A_378 = tpu.vector_load %arg15[%get3A_375, %get3A_376, %get3A_377] {strides = array<i32>} : memref<2x6x128xf32, #tpu.memory_space<vmem>>, vector<1x1x16xf32>,
        %get3A_379 = vector.shape_cast %get3A_378 : vector<1x1x16xf32> to vector<16xf32>
        %get3A_380 = arith.constant 3 : i32
        %get3A_381 = arith.index_cast %rem3A_242 : i32 to index
        %get3A_382 = arith.index_cast %get3A_380 : i32 to index
        %get3A_383 = arith.index_cast %mul3A_356 : i32 to index
        %get3A_384 = tpu.vector_load %arg15[%get3A_381, %get3A_382, %get3A_383] {strides = array<i32>} : memref<2x6x128xf32, #tpu.memory_space<vmem>>, vector<1x1x16xf32>,
        %get3A_385 = vector.shape_cast %get3A_384 : vector<1x1x16xf32> to vector<16xf32>
        %sub3A_386 = arith.subf %get3A_379, %get3A_385 : vector<16xf32>
        %swap3A_387 = arith.constant 1 : i32
        %swap3A_388 = arith.index_cast %rem3A_242 : i32 to index
        %swap3A_389 = arith.index_cast %swap3A_387 : i32 to index
        %swap3A_390 = arith.index_cast %mul3A_356 : i32 to index
        %swap3A_391 = tpu.vector_load %arg16[%swap3A_388, %swap3A_389, %swap3A_390] {strides = array<i32>} : memref<2x3x128xf32, #tpu.memory_space<vmem>>, vector<1x1x16xf32>,
        %swap3A_392 = vector.shape_cast %swap3A_391 : vector<1x1x16xf32> to vector<16xf32>
        %swap3A_393 = vector.shape_cast %sub3A_386 : vector<16xf32> to vector<1x1x16xf32>
        tpu.vector_store %arg16[%swap3A_388, %swap3A_389, %swap3A_390], %swap3A_393 {strides = array<i32>} : memref<2x3x128xf32, #tpu.memory_space<vmem>>, vector<1x1x16xf32>,
        %get3A_394 = arith.constant 4 : i32
        %get3A_395 = arith.index_cast %rem3A_242 : i32 to index
        %get3A_396 = arith.index_cast %get3A_394 : i32 to index
        %get3A_397 = arith.index_cast %mul3A_356 : i32 to index
        %get3A_398 = tpu.vector_load %arg15[%get3A_395, %get3A_396, %get3A_397] {strides = array<i32>} : memref<2x6x128xf32, #tpu.memory_space<vmem>>, vector<1x1x16xf32>,
        %get3A_399 = vector.shape_cast %get3A_398 : vector<1x1x16xf32> to vector<16xf32>
        %get3A_400 = arith.constant 5 : i32
        %get3A_401 = arith.index_cast %rem3A_242 : i32 to index
        %get3A_402 = arith.index_cast %get3A_400 : i32 to index
        %get3A_403 = arith.index_cast %mul3A_356 : i32 to index
        %get3A_404 = tpu.vector_load %arg15[%get3A_401, %get3A_402, %get3A_403] {strides = array<i32>} : memref<2x6x128xf32, #tpu.memory_space<vmem>>, vector<1x1x16xf32>,
        %get3A_405 = vector.shape_cast %get3A_404 : vector<1x1x16xf32> to vector<16xf32>
        %sub3A_406 = arith.subf %get3A_399, %get3A_405 : vector<16xf32>
        %swap3A_407 = arith.constant 2 : i32
        %swap3A_408 = arith.index_cast %rem3A_242 : i32 to index
        %swap3A_409 = arith.index_cast %swap3A_407 : i32 to index
        %swap3A_410 = arith.index_cast %mul3A_356 : i32 to index
        %swap3A_411 = tpu.vector_load %arg16[%swap3A_408, %swap3A_409, %swap3A_410] {strides = array<i32>} : memref<2x3x128xf32, #tpu.memory_space<vmem>>, vector<1x1x16xf32>,
        %swap3A_412 = vector.shape_cast %swap3A_411 : vector<1x1x16xf32> to vector<16xf32>
        %swap3A_413 = vector.shape_cast %sub3A_406 : vector<16xf32> to vector<1x1x16xf32>
        tpu.vector_store %arg16[%swap3A_408, %swap3A_409, %swap3A_410], %swap3A_413 {strides = array<i32>} : memref<2x3x128xf32, #tpu.memory_space<vmem>>, vector<1x1x16xf32>,
      }
      %scan3A_310 = arith.constant 8 : i32
      %mul3A_311 = arith.constant 128 : i32
      %mul3A_312 = arith.muli %scan3A_241, %mul3A_311 : i32
      %add3A_313 = arith.addi %mul3A_2, %mul3A_312 : i32
      %multiple_of3A_314 = tpu.assume_multiple %add3A_313, 8 : i32
      %dma_start3A_315 = arith.constant 0 : i32
      %dma_start3A_316 = arith.constant 0 : i32
      %dma_start3A_317 = tpu.memref_slice %arg16[%rem3A_242, %dma_start3A_315, %dma_start3A_316] : memref<2x3x128xf32, #tpu.memory_space<vmem>> -> memref<1x1x128xf32, #tpu.memory_space<vmem>>
      %dma_start3A_318 = tpu.memref_squeeze %dma_start3A_317 : memref<1x1x128xf32, #tpu.memory_space<vmem>> -> memref<128xf32, #tpu.memory_space<vmem>>
      %dma_start3A_319 = tpu.memref_slice %arg9[%multiple_of3A_314] : memref<327680xf32, #tpu.memory_space<hbm>> -> memref<128xf32, #tpu.memory_space<hbm>>
      %dma_start3A_320 = tpu.memref_slice %arg18[%rem3A_242] : memref<2x!tpu.dma_semaphore, #tpu.memory_space<semaphore_mem>> -> memref<1x!tpu.dma_semaphore, #tpu.memory_space<semaphore_mem>>
      %dma_start3A_321 = tpu.memref_squeeze %dma_start3A_320 : memref<1x!tpu.dma_semaphore, #tpu.memory_space<semaphore_mem>> -> memref<!tpu.dma_semaphore, #tpu.memory_space<semaphore_mem>>
      %dma_start3A_322 = tpu.memref_slice %arg9[%multiple_of3A_314] : memref<327680xf32, #tpu.memory_space<hbm>> -> memref<128xf32, #tpu.memory_space<hbm>>
      %dma_start3A_323 = arith.constant 0 : i32
      %dma_start3A_324 = tpu.memref_slice %arg16[%rem3A_242, %dma_start3A_315, %dma_start3A_323] : memref<2x3x128xf32, #tpu.memory_space<vmem>> -> memref<1x1x128xf32, #tpu.memory_space<vmem>>
      %dma_start3A_325 = tpu.memref_squeeze %dma_start3A_324 : memref<1x1x128xf32, #tpu.memory_space<vmem>> -> memref<128xf32, #tpu.memory_space<vmem>>
      tpu.enqueue_dma source(%dma_start3A_325 : memref<128xf32, #tpu.memory_space<vmem>>) target(%dma_start3A_322 : memref<128xf32, #tpu.memory_space<hbm>>) target_semaphore(%dma_start3A_321 : memref<!tpu.dma_semaphore, #tpu.memory_space<semaphore_mem>>)
      %dma_start3A_326 = arith.constant 1 : i32
      %dma_start3A_327 = arith.constant 0 : i32
      %dma_start3A_328 = tpu.memref_slice %arg16[%rem3A_242, %dma_start3A_326, %dma_start3A_327] : memref<2x3x128xf32, #tpu.memory_space<vmem>> -> memref<1x1x128xf32, #tpu.memory_space<vmem>>
      %dma_start3A_329 = tpu.memref_squeeze %dma_start3A_328 : memref<1x1x128xf32, #tpu.memory_space<vmem>> -> memref<128xf32, #tpu.memory_space<vmem>>
      %dma_start3A_330 = tpu.memref_slice %arg10[%multiple_of3A_314] : memref<327680xf32, #tpu.memory_space<hbm>> -> memref<128xf32, #tpu.memory_space<hbm>>
      %dma_start3A_331 = tpu.memref_slice %arg18[%rem3A_242] : memref<2x!tpu.dma_semaphore, #tpu.memory_space<semaphore_mem>> -> memref<1x!tpu.dma_semaphore, #tpu.memory_space<semaphore_mem>>
      %dma_start3A_332 = tpu.memref_squeeze %dma_start3A_331 : memref<1x!tpu.dma_semaphore, #tpu.memory_space<semaphore_mem>> -> memref<!tpu.dma_semaphore, #tpu.memory_space<semaphore_mem>>
      %dma_start3A_333 = tpu.memref_slice %arg10[%multiple_of3A_314] : memref<327680xf32, #tpu.memory_space<hbm>> -> memref<128xf32, #tpu.memory_space<hbm>>
      %dma_start3A_334 = arith.constant 0 : i32
      %dma_start3A_335 = tpu.memref_slice %arg16[%rem3A_242, %dma_start3A_326, %dma_start3A_334] : memref<2x3x128xf32, #tpu.memory_space<vmem>> -> memref<1x1x128xf32, #tpu.memory_space<vmem>>
      %dma_start3A_336 = tpu.memref_squeeze %dma_start3A_335 : memref<1x1x128xf32, #tpu.memory_space<vmem>> -> memref<128xf32, #tpu.memory_space<vmem>>
      tpu.enqueue_dma source(%dma_start3A_336 : memref<128xf32, #tpu.memory_space<vmem>>) target(%dma_start3A_333 : memref<128xf32, #tpu.memory_space<hbm>>) target_semaphore(%dma_start3A_332 : memref<!tpu.dma_semaphore, #tpu.memory_space<semaphore_mem>>)
      %dma_start3A_337 = arith.constant 2 : i32
      %dma_start3A_338 = arith.constant 0 : i32
      %dma_start3A_339 = tpu.memref_slice %arg16[%rem3A_242, %dma_start3A_337, %dma_start3A_338] : memref<2x3x128xf32, #tpu.memory_space<vmem>> -> memref<1x1x128xf32, #tpu.memory_space<vmem>>
      %dma_start3A_340 = tpu.memref_squeeze %dma_start3A_339 : memref<1x1x128xf32, #tpu.memory_space<vmem>> -> memref<128xf32, #tpu.memory_space<vmem>>
      %dma_start3A_341 = tpu.memref_slice %arg11[%multiple_of3A_314] : memref<327680xf32, #tpu.memory_space<hbm>> -> memref<128xf32, #tpu.memory_space<hbm>>
      %dma_start3A_342 = tpu.memref_slice %arg18[%rem3A_242] : memref<2x!tpu.dma_semaphore, #tpu.memory_space<semaphore_mem>> -> memref<1x!tpu.dma_semaphore, #tpu.memory_space<semaphore_mem>>
      %dma_start3A_343 = tpu.memref_squeeze %dma_start3A_342 : memref<1x!tpu.dma_semaphore, #tpu.memory_space<semaphore_mem>> -> memref<!tpu.dma_semaphore, #tpu.memory_space<semaphore_mem>>
      %dma_start3A_344 = tpu.memref_slice %arg11[%multiple_of3A_314] : memref<327680xf32, #tpu.memory_space<hbm>> -> memref<128xf32, #tpu.memory_space<hbm>>
      %dma_start3A_345 = arith.constant 0 : i32
      %dma_start3A_346 = tpu.memref_slice %arg16[%rem3A_242, %dma_start3A_337, %dma_start3A_345] : memref<2x3x128xf32, #tpu.memory_space<vmem>> -> memref<1x1x128xf32, #tpu.memory_space<vmem>>
      %dma_start3A_347 = tpu.memref_squeeze %dma_start3A_346 : memref<1x1x128xf32, #tpu.memory_space<vmem>> -> memref<128xf32, #tpu.memory_space<vmem>>
      tpu.enqueue_dma source(%dma_start3A_347 : memref<128xf32, #tpu.memory_space<vmem>>) target(%dma_start3A_344 : memref<128xf32, #tpu.memory_space<hbm>>) target_semaphore(%dma_start3A_343 : memref<!tpu.dma_semaphore, #tpu.memory_space<semaphore_mem>>)
      %add3A_348 = arith.constant 2 : i32
      %add3A_349 = arith.addi %scan3A_241, %add3A_348 : i32
      %lt3A = arith.constant 80 : i32
      %lt3A_350 = arith.cmpi slt, %add3A_349, %lt3A : i32
      %convert_element_type3A_351 = arith.extui %lt3A_350 : i1 to i32
      %cond3A_352 = arith.constant 0 : i32
      %cond3A_353 = arith.cmpi ne, %convert_element_type3A_351, %cond3A_352 : i32
      scf.if %cond3A_353 {
        %add3A_354 = arith.constant 2 : i32
        %add3A_355 = arith.addi %scan3A_241, %add3A_354 : i32
        %mul3A_356 = arith.constant 128 : i32
        %mul3A_357 = arith.muli %add3A_355, %mul3A_356 : i32
        %multiple_of3A_358 = tpu.assume_multiple %mul3A_357, 8 : i32
        %dma_start3A_359 = arith.constant 0 : i32
        %dma_start3A_360 = arith.constant 0 : i32
        %dma_start3A_361 = tpu.memref_slice %arg15[%rem3A_242, %dma_start3A_359, %dma_start3A_360] : memref<2x6x128xf32, #tpu.memory_space<vmem>> -> memref<1x1x128xf32, #tpu.memory_space<vmem>>
        %dma_start3A_362 = tpu.memref_squeeze %dma_start3A_361 : memref<1x1x128xf32, #tpu.memory_space<vmem>> -> memref<128xf32, #tpu.memory_space<vmem>>
        %dma_start3A_363 = tpu.memref_slice %arg13[%multiple_of3A_358] : memref<10240xi32, #tpu.memory_space<vmem>> -> memref<128xi32, #tpu.memory_space<vmem>>
        %dma_start3A_364 = arith.constant 0 : i32
        %dma_start3A_365 = tpu.memref_slice %arg2[%dma_start3A_364] : memref<10240xf32, #tpu.memory_space<hbm>> -> memref<10240xf32, #tpu.memory_space<hbm>>
        %dma_start3A_366 = tpu.memref_slice %arg17[%rem3A_242] : memref<2x!tpu.dma_semaphore, #tpu.memory_space<semaphore_mem>> -> memref<1x!tpu.dma_semaphore, #tpu.memory_space<semaphore_mem>>
        %dma_start3A_367 = tpu.memref_squeeze %dma_start3A_366 : memref<1x!tpu.dma_semaphore, #tpu.memory_space<semaphore_mem>> -> memref<!tpu.dma_semaphore, #tpu.memory_space<semaphore_mem>>
        tpu.enqueue_indirect_dma source(%dma_start3A_365 : memref<10240xf32, #tpu.memory_space<hbm>>) target(%dma_start3A_362 : memref<128xf32, #tpu.memory_space<vmem>>) offsets(%dma_start3A_363 : memref<128xi32, #tpu.memory_space<vmem>>) semaphore(%dma_start3A_367 : memref<!tpu.dma_semaphore, #tpu.memory_space<semaphore_mem>>)
        %dma_start3A_368 = arith.constant 1 : i32
        %dma_start3A_369 = arith.constant 0 : i32
        %dma_start3A_370 = tpu.memref_slice %arg15[%rem3A_242, %dma_start3A_368, %dma_start3A_369] : memref<2x6x128xf32, #tpu.memory_space<vmem>> -> memref<1x1x128xf32, #tpu.memory_space<vmem>>
        %dma_start3A_371 = tpu.memref_squeeze %dma_start3A_370 : memref<1x1x128xf32, #tpu.memory_space<vmem>> -> memref<128xf32, #tpu.memory_space<vmem>>
        %dma_start3A_372 = tpu.memref_slice %arg14[%multiple_of3A_358] : memref<10240xi32, #tpu.memory_space<vmem>> -> memref<128xi32, #tpu.memory_space<vmem>>
        %dma_start3A_373 = arith.constant 0 : i32
        %dma_start3A_374 = tpu.memref_slice %arg2[%dma_start3A_373] : memref<10240xf32, #tpu.memory_space<hbm>> -> memref<10240xf32, #tpu.memory_space<hbm>>
        %dma_start3A_375 = tpu.memref_slice %arg17[%rem3A_242] : memref<2x!tpu.dma_semaphore, #tpu.memory_space<semaphore_mem>> -> memref<1x!tpu.dma_semaphore, #tpu.memory_space<semaphore_mem>>
        %dma_start3A_376 = tpu.memref_squeeze %dma_start3A_375 : memref<1x!tpu.dma_semaphore, #tpu.memory_space<semaphore_mem>> -> memref<!tpu.dma_semaphore, #tpu.memory_space<semaphore_mem>>
        tpu.enqueue_indirect_dma source(%dma_start3A_374 : memref<10240xf32, #tpu.memory_space<hbm>>) target(%dma_start3A_371 : memref<128xf32, #tpu.memory_space<vmem>>) offsets(%dma_start3A_372 : memref<128xi32, #tpu.memory_space<vmem>>) semaphore(%dma_start3A_376 : memref<!tpu.dma_semaphore, #tpu.memory_space<semaphore_mem>>)
        %dma_start3A_377 = arith.constant 2 : i32
        %dma_start3A_378 = arith.constant 0 : i32
        %dma_start3A_379 = tpu.memref_slice %arg15[%rem3A_242, %dma_start3A_377, %dma_start3A_378] : memref<2x6x128xf32, #tpu.memory_space<vmem>> -> memref<1x1x128xf32, #tpu.memory_space<vmem>>
        %dma_start3A_380 = tpu.memref_squeeze %dma_start3A_379 : memref<1x1x128xf32, #tpu.memory_space<vmem>> -> memref<128xf32, #tpu.memory_space<vmem>>
        %dma_start3A_381 = tpu.memref_slice %arg13[%multiple_of3A_358] : memref<10240xi32, #tpu.memory_space<vmem>> -> memref<128xi32, #tpu.memory_space<vmem>>
        %dma_start3A_382 = arith.constant 0 : i32
        %dma_start3A_383 = tpu.memref_slice %arg3[%dma_start3A_382] : memref<10240xf32, #tpu.memory_space<hbm>> -> memref<10240xf32, #tpu.memory_space<hbm>>
        %dma_start3A_384 = tpu.memref_slice %arg17[%rem3A_242] : memref<2x!tpu.dma_semaphore, #tpu.memory_space<semaphore_mem>> -> memref<1x!tpu.dma_semaphore, #tpu.memory_space<semaphore_mem>>
        %dma_start3A_385 = tpu.memref_squeeze %dma_start3A_384 : memref<1x!tpu.dma_semaphore, #tpu.memory_space<semaphore_mem>> -> memref<!tpu.dma_semaphore, #tpu.memory_space<semaphore_mem>>
        tpu.enqueue_indirect_dma source(%dma_start3A_383 : memref<10240xf32, #tpu.memory_space<hbm>>) target(%dma_start3A_380 : memref<128xf32, #tpu.memory_space<vmem>>) offsets(%dma_start3A_381 : memref<128xi32, #tpu.memory_space<vmem>>) semaphore(%dma_start3A_385 : memref<!tpu.dma_semaphore, #tpu.memory_space<semaphore_mem>>)
        %dma_start3A_386 = arith.constant 3 : i32
        %dma_start3A_387 = arith.constant 0 : i32
        %dma_start3A_388 = tpu.memref_slice %arg15[%rem3A_242, %dma_start3A_386, %dma_start3A_387] : memref<2x6x128xf32, #tpu.memory_space<vmem>> -> memref<1x1x128xf32, #tpu.memory_space<vmem>>
        %dma_start3A_389 = tpu.memref_squeeze %dma_start3A_388 : memref<1x1x128xf32, #tpu.memory_space<vmem>> -> memref<128xf32, #tpu.memory_space<vmem>>
        %dma_start3A_390 = tpu.memref_slice %arg14[%multiple_of3A_358] : memref<10240xi32, #tpu.memory_space<vmem>> -> memref<128xi32, #tpu.memory_space<vmem>>
        %dma_start3A_391 = arith.constant 0 : i32
        %dma_start3A_392 = tpu.memref_slice %arg3[%dma_start3A_391] : memref<10240xf32, #tpu.memory_space<hbm>> -> memref<10240xf32, #tpu.memory_space<hbm>>
        %dma_start3A_393 = tpu.memref_slice %arg17[%rem3A_242] : memref<2x!tpu.dma_semaphore, #tpu.memory_space<semaphore_mem>> -> memref<1x!tpu.dma_semaphore, #tpu.memory_space<semaphore_mem>>
        %dma_start3A_394 = tpu.memref_squeeze %dma_start3A_393 : memref<1x!tpu.dma_semaphore, #tpu.memory_space<semaphore_mem>> -> memref<!tpu.dma_semaphore, #tpu.memory_space<semaphore_mem>>
        tpu.enqueue_indirect_dma source(%dma_start3A_392 : memref<10240xf32, #tpu.memory_space<hbm>>) target(%dma_start3A_389 : memref<128xf32, #tpu.memory_space<vmem>>) offsets(%dma_start3A_390 : memref<128xi32, #tpu.memory_space<vmem>>) semaphore(%dma_start3A_394 : memref<!tpu.dma_semaphore, #tpu.memory_space<semaphore_mem>>)
        %dma_start3A_395 = arith.constant 4 : i32
        %dma_start3A_396 = arith.constant 0 : i32
        %dma_start3A_397 = tpu.memref_slice %arg15[%rem3A_242, %dma_start3A_395, %dma_start3A_396] : memref<2x6x128xf32, #tpu.memory_space<vmem>> -> memref<1x1x128xf32, #tpu.memory_space<vmem>>
        %dma_start3A_398 = tpu.memref_squeeze %dma_start3A_397 : memref<1x1x128xf32, #tpu.memory_space<vmem>> -> memref<128xf32, #tpu.memory_space<vmem>>
        %dma_start3A_399 = tpu.memref_slice %arg13[%multiple_of3A_358] : memref<10240xi32, #tpu.memory_space<vmem>> -> memref<128xi32, #tpu.memory_space<vmem>>
        %dma_start3A_400 = arith.constant 0 : i32
        %dma_start3A_401 = tpu.memref_slice %arg4[%dma_start3A_400] : memref<10240xf32, #tpu.memory_space<hbm>> -> memref<10240xf32, #tpu.memory_space<hbm>>
        %dma_start3A_402 = tpu.memref_slice %arg17[%rem3A_242] : memref<2x!tpu.dma_semaphore, #tpu.memory_space<semaphore_mem>> -> memref<1x!tpu.dma_semaphore, #tpu.memory_space<semaphore_mem>>
        %dma_start3A_403 = tpu.memref_squeeze %dma_start3A_402 : memref<1x!tpu.dma_semaphore, #tpu.memory_space<semaphore_mem>> -> memref<!tpu.dma_semaphore, #tpu.memory_space<semaphore_mem>>
        tpu.enqueue_indirect_dma source(%dma_start3A_401 : memref<10240xf32, #tpu.memory_space<hbm>>) target(%dma_start3A_398 : memref<128xf32, #tpu.memory_space<vmem>>) offsets(%dma_start3A_399 : memref<128xi32, #tpu.memory_space<vmem>>) semaphore(%dma_start3A_403 : memref<!tpu.dma_semaphore, #tpu.memory_space<semaphore_mem>>)
        %dma_start3A_404 = arith.constant 5 : i32
        %dma_start3A_405 = arith.constant 0 : i32
        %dma_start3A_406 = tpu.memref_slice %arg15[%rem3A_242, %dma_start3A_404, %dma_start3A_405] : memref<2x6x128xf32, #tpu.memory_space<vmem>> -> memref<1x1x128xf32, #tpu.memory_space<vmem>>
        %dma_start3A_407 = tpu.memref_squeeze %dma_start3A_406 : memref<1x1x128xf32, #tpu.memory_space<vmem>> -> memref<128xf32, #tpu.memory_space<vmem>>
        %dma_start3A_408 = tpu.memref_slice %arg14[%multiple_of3A_358] : memref<10240xi32, #tpu.memory_space<vmem>> -> memref<128xi32, #tpu.memory_space<vmem>>
        %dma_start3A_409 = arith.constant 0 : i32
        %dma_start3A_410 = tpu.memref_slice %arg4[%dma_start3A_409] : memref<10240xf32, #tpu.memory_space<hbm>> -> memref<10240xf32, #tpu.memory_space<hbm>>
        %dma_start3A_411 = tpu.memref_slice %arg17[%rem3A_242] : memref<2x!tpu.dma_semaphore, #tpu.memory_space<semaphore_mem>> -> memref<1x!tpu.dma_semaphore, #tpu.memory_space<semaphore_mem>>
        %dma_start3A_412 = tpu.memref_squeeze %dma_start3A_411 : memref<1x!tpu.dma_semaphore, #tpu.memory_space<semaphore_mem>> -> memref<!tpu.dma_semaphore, #tpu.memory_space<semaphore_mem>>
        tpu.enqueue_indirect_dma source(%dma_start3A_410 : memref<10240xf32, #tpu.memory_space<hbm>>) target(%dma_start3A_407 : memref<128xf32, #tpu.memory_space<vmem>>) offsets(%dma_start3A_408 : memref<128xi32, #tpu.memory_space<vmem>>) semaphore(%dma_start3A_412 : memref<!tpu.dma_semaphore, #tpu.memory_space<semaphore_mem>>)
      } else {
      }
    }
    %scan3A_151 = arith.constant 80 : i32
    %dma_wait3A = arith.constant 0 : i32
    %dma_wait3A_152 = arith.constant 0 : i32
    %dma_wait3A_153 = arith.constant 0 : i32
    %dma_wait3A_154 = arith.constant 0 : i32
    %dma_wait3A_155 = tpu.memref_slice %arg16[%dma_wait3A, %dma_wait3A_152, %dma_wait3A_154] : memref<2x3x128xf32, #tpu.memory_space<vmem>> -> memref<1x1x128xf32, #tpu.memory_space<vmem>>
    %dma_wait3A_156 = tpu.memref_squeeze %dma_wait3A_155 : memref<1x1x128xf32, #tpu.memory_space<vmem>> -> memref<128xf32, #tpu.memory_space<vmem>>
    %dma_wait3A_157 = arith.constant 0 : i32
    %dma_wait3A_158 = tpu.memref_slice %arg9[%dma_wait3A_157] : memref<327680xf32, #tpu.memory_space<hbm>> -> memref<128xf32, #tpu.memory_space<hbm>>
    %dma_wait3A_159 = tpu.memref_slice %arg18[%dma_wait3A_153] : memref<2x!tpu.dma_semaphore, #tpu.memory_space<semaphore_mem>> -> memref<1x!tpu.dma_semaphore, #tpu.memory_space<semaphore_mem>>
    %dma_wait3A_160 = tpu.memref_squeeze %dma_wait3A_159 : memref<1x!tpu.dma_semaphore, #tpu.memory_space<semaphore_mem>> -> memref<!tpu.dma_semaphore, #tpu.memory_space<semaphore_mem>>
    %dma_wait3A_161 = arith.constant 0 : i32
    %dma_wait3A_162 = tpu.memref_slice %arg9[%dma_wait3A_161] : memref<327680xf32, #tpu.memory_space<hbm>> -> memref<128xf32, #tpu.memory_space<hbm>>
    %dma_wait3A_163 = arith.constant 0 : i32
    %dma_wait3A_164 = tpu.memref_slice %arg16[%dma_wait3A, %dma_wait3A_152, %dma_wait3A_163] : memref<2x3x128xf32, #tpu.memory_space<vmem>> -> memref<1x1x128xf32, #tpu.memory_space<vmem>>
    %dma_wait3A_165 = tpu.memref_squeeze %dma_wait3A_164 : memref<1x1x128xf32, #tpu.memory_space<vmem>> -> memref<128xf32, #tpu.memory_space<vmem>>
    tpu.wait_dma2 semaphore(%dma_wait3A_160 : memref<!tpu.dma_semaphore, #tpu.memory_space<semaphore_mem>>) src(%dma_wait3A_165 : memref<128xf32, #tpu.memory_space<vmem>>) dst(%dma_wait3A_162 : memref<128xf32, #tpu.memory_space<hbm>>)
    %dma_wait3A_166 = arith.constant 0 : i32
    %dma_wait3A_167 = arith.constant 1 : i32
    %dma_wait3A_168 = arith.constant 0 : i32
    %dma_wait3A_169 = arith.constant 0 : i32
    %dma_wait3A_170 = tpu.memref_slice %arg16[%dma_wait3A_166, %dma_wait3A_167, %dma_wait3A_169] : memref<2x3x128xf32, #tpu.memory_space<vmem>> -> memref<1x1x128xf32, #tpu.memory_space<vmem>>
    %dma_wait3A_171 = tpu.memref_squeeze %dma_wait3A_170 : memref<1x1x128xf32, #tpu.memory_space<vmem>> -> memref<128xf32, #tpu.memory_space<vmem>>
    %dma_wait3A_172 = arith.constant 0 : i32
    %dma_wait3A_173 = tpu.memref_slice %arg10[%dma_wait3A_172] : memref<327680xf32, #tpu.memory_space<hbm>> -> memref<128xf32, #tpu.memory_space<hbm>>
    %dma_wait3A_174 = tpu.memref_slice %arg18[%dma_wait3A_168] : memref<2x!tpu.dma_semaphore, #tpu.memory_space<semaphore_mem>> -> memref<1x!tpu.dma_semaphore, #tpu.memory_space<semaphore_mem>>
    %dma_wait3A_175 = tpu.memref_squeeze %dma_wait3A_174 : memref<1x!tpu.dma_semaphore, #tpu.memory_space<semaphore_mem>> -> memref<!tpu.dma_semaphore, #tpu.memory_space<semaphore_mem>>
    %dma_wait3A_176 = arith.constant 0 : i32
    %dma_wait3A_177 = tpu.memref_slice %arg10[%dma_wait3A_176] : memref<327680xf32, #tpu.memory_space<hbm>> -> memref<128xf32, #tpu.memory_space<hbm>>
    %dma_wait3A_178 = arith.constant 0 : i32
    %dma_wait3A_179 = tpu.memref_slice %arg16[%dma_wait3A_166, %dma_wait3A_167, %dma_wait3A_178] : memref<2x3x128xf32, #tpu.memory_space<vmem>> -> memref<1x1x128xf32, #tpu.memory_space<vmem>>
    %dma_wait3A_180 = tpu.memref_squeeze %dma_wait3A_179 : memref<1x1x128xf32, #tpu.memory_space<vmem>> -> memref<128xf32, #tpu.memory_space<vmem>>
    tpu.wait_dma2 semaphore(%dma_wait3A_175 : memref<!tpu.dma_semaphore, #tpu.memory_space<semaphore_mem>>) src(%dma_wait3A_180 : memref<128xf32, #tpu.memory_space<vmem>>) dst(%dma_wait3A_177 : memref<128xf32, #tpu.memory_space<hbm>>)
    %dma_wait3A_181 = arith.constant 0 : i32
    %dma_wait3A_182 = arith.constant 2 : i32
    %dma_wait3A_183 = arith.constant 0 : i32
    %dma_wait3A_184 = arith.constant 0 : i32
    %dma_wait3A_185 = tpu.memref_slice %arg16[%dma_wait3A_181, %dma_wait3A_182, %dma_wait3A_184] : memref<2x3x128xf32, #tpu.memory_space<vmem>> -> memref<1x1x128xf32, #tpu.memory_space<vmem>>
    %dma_wait3A_186 = tpu.memref_squeeze %dma_wait3A_185 : memref<1x1x128xf32, #tpu.memory_space<vmem>> -> memref<128xf32, #tpu.memory_space<vmem>>
    %dma_wait3A_187 = arith.constant 0 : i32
    %dma_wait3A_188 = tpu.memref_slice %arg11[%dma_wait3A_187] : memref<327680xf32, #tpu.memory_space<hbm>> -> memref<128xf32, #tpu.memory_space<hbm>>
    %dma_wait3A_189 = tpu.memref_slice %arg18[%dma_wait3A_183] : memref<2x!tpu.dma_semaphore, #tpu.memory_space<semaphore_mem>> -> memref<1x!tpu.dma_semaphore, #tpu.memory_space<semaphore_mem>>
    %dma_wait3A_190 = tpu.memref_squeeze %dma_wait3A_189 : memref<1x!tpu.dma_semaphore, #tpu.memory_space<semaphore_mem>> -> memref<!tpu.dma_semaphore, #tpu.memory_space<semaphore_mem>>
    %dma_wait3A_191 = arith.constant 0 : i32
    %dma_wait3A_192 = tpu.memref_slice %arg11[%dma_wait3A_191] : memref<327680xf32, #tpu.memory_space<hbm>> -> memref<128xf32, #tpu.memory_space<hbm>>
    %dma_wait3A_193 = arith.constant 0 : i32
    %dma_wait3A_194 = tpu.memref_slice %arg16[%dma_wait3A_181, %dma_wait3A_182, %dma_wait3A_193] : memref<2x3x128xf32, #tpu.memory_space<vmem>> -> memref<1x1x128xf32, #tpu.memory_space<vmem>>
    %dma_wait3A_195 = tpu.memref_squeeze %dma_wait3A_194 : memref<1x1x128xf32, #tpu.memory_space<vmem>> -> memref<128xf32, #tpu.memory_space<vmem>>
    tpu.wait_dma2 semaphore(%dma_wait3A_190 : memref<!tpu.dma_semaphore, #tpu.memory_space<semaphore_mem>>) src(%dma_wait3A_195 : memref<128xf32, #tpu.memory_space<vmem>>) dst(%dma_wait3A_192 : memref<128xf32, #tpu.memory_space<hbm>>)
    %dma_wait3A_196 = arith.constant 1 : i32
    %dma_wait3A_197 = arith.constant 0 : i32
    %dma_wait3A_198 = arith.constant 1 : i32
    %dma_wait3A_199 = arith.constant 0 : i32
    %dma_wait3A_200 = tpu.memref_slice %arg16[%dma_wait3A_196, %dma_wait3A_197, %dma_wait3A_199] : memref<2x3x128xf32, #tpu.memory_space<vmem>> -> memref<1x1x128xf32, #tpu.memory_space<vmem>>
    %dma_wait3A_201 = tpu.memref_squeeze %dma_wait3A_200 : memref<1x1x128xf32, #tpu.memory_space<vmem>> -> memref<128xf32, #tpu.memory_space<vmem>>
    %dma_wait3A_202 = arith.constant 0 : i32
    %dma_wait3A_203 = tpu.memref_slice %arg9[%dma_wait3A_202] : memref<327680xf32, #tpu.memory_space<hbm>> -> memref<128xf32, #tpu.memory_space<hbm>>
    %dma_wait3A_204 = tpu.memref_slice %arg18[%dma_wait3A_198] : memref<2x!tpu.dma_semaphore, #tpu.memory_space<semaphore_mem>> -> memref<1x!tpu.dma_semaphore, #tpu.memory_space<semaphore_mem>>
    %dma_wait3A_205 = tpu.memref_squeeze %dma_wait3A_204 : memref<1x!tpu.dma_semaphore, #tpu.memory_space<semaphore_mem>> -> memref<!tpu.dma_semaphore, #tpu.memory_space<semaphore_mem>>
    %dma_wait3A_206 = arith.constant 0 : i32
    %dma_wait3A_207 = tpu.memref_slice %arg9[%dma_wait3A_206] : memref<327680xf32, #tpu.memory_space<hbm>> -> memref<128xf32, #tpu.memory_space<hbm>>
    %dma_wait3A_208 = arith.constant 0 : i32
    %dma_wait3A_209 = tpu.memref_slice %arg16[%dma_wait3A_196, %dma_wait3A_197, %dma_wait3A_208] : memref<2x3x128xf32, #tpu.memory_space<vmem>> -> memref<1x1x128xf32, #tpu.memory_space<vmem>>
    %dma_wait3A_210 = tpu.memref_squeeze %dma_wait3A_209 : memref<1x1x128xf32, #tpu.memory_space<vmem>> -> memref<128xf32, #tpu.memory_space<vmem>>
    tpu.wait_dma2 semaphore(%dma_wait3A_205 : memref<!tpu.dma_semaphore, #tpu.memory_space<semaphore_mem>>) src(%dma_wait3A_210 : memref<128xf32, #tpu.memory_space<vmem>>) dst(%dma_wait3A_207 : memref<128xf32, #tpu.memory_space<hbm>>)
    %dma_wait3A_211 = arith.constant 1 : i32
    %dma_wait3A_212 = arith.constant 1 : i32
    %dma_wait3A_213 = arith.constant 1 : i32
    %dma_wait3A_214 = arith.constant 0 : i32
    %dma_wait3A_215 = tpu.memref_slice %arg16[%dma_wait3A_211, %dma_wait3A_212, %dma_wait3A_214] : memref<2x3x128xf32, #tpu.memory_space<vmem>> -> memref<1x1x128xf32, #tpu.memory_space<vmem>>
    %dma_wait3A_216 = tpu.memref_squeeze %dma_wait3A_215 : memref<1x1x128xf32, #tpu.memory_space<vmem>> -> memref<128xf32, #tpu.memory_space<vmem>>
    %dma_wait3A_217 = arith.constant 0 : i32
    %dma_wait3A_218 = tpu.memref_slice %arg10[%dma_wait3A_217] : memref<327680xf32, #tpu.memory_space<hbm>> -> memref<128xf32, #tpu.memory_space<hbm>>
    %dma_wait3A_219 = tpu.memref_slice %arg18[%dma_wait3A_213] : memref<2x!tpu.dma_semaphore, #tpu.memory_space<semaphore_mem>> -> memref<1x!tpu.dma_semaphore, #tpu.memory_space<semaphore_mem>>
    %dma_wait3A_220 = tpu.memref_squeeze %dma_wait3A_219 : memref<1x!tpu.dma_semaphore, #tpu.memory_space<semaphore_mem>> -> memref<!tpu.dma_semaphore, #tpu.memory_space<semaphore_mem>>
    %dma_wait3A_221 = arith.constant 0 : i32
    %dma_wait3A_222 = tpu.memref_slice %arg10[%dma_wait3A_221] : memref<327680xf32, #tpu.memory_space<hbm>> -> memref<128xf32, #tpu.memory_space<hbm>>
    %dma_wait3A_223 = arith.constant 0 : i32
    %dma_wait3A_224 = tpu.memref_slice %arg16[%dma_wait3A_211, %dma_wait3A_212, %dma_wait3A_223] : memref<2x3x128xf32, #tpu.memory_space<vmem>> -> memref<1x1x128xf32, #tpu.memory_space<vmem>>
    %dma_wait3A_225 = tpu.memref_squeeze %dma_wait3A_224 : memref<1x1x128xf32, #tpu.memory_space<vmem>> -> memref<128xf32, #tpu.memory_space<vmem>>
    tpu.wait_dma2 semaphore(%dma_wait3A_220 : memref<!tpu.dma_semaphore, #tpu.memory_space<semaphore_mem>>) src(%dma_wait3A_225 : memref<128xf32, #tpu.memory_space<vmem>>) dst(%dma_wait3A_222 : memref<128xf32, #tpu.memory_space<hbm>>)
    %dma_wait3A_226 = arith.constant 1 : i32
    %dma_wait3A_227 = arith.constant 2 : i32
    %dma_wait3A_228 = arith.constant 1 : i32
    %dma_wait3A_229 = arith.constant 0 : i32
    %dma_wait3A_230 = tpu.memref_slice %arg16[%dma_wait3A_226, %dma_wait3A_227, %dma_wait3A_229] : memref<2x3x128xf32, #tpu.memory_space<vmem>> -> memref<1x1x128xf32, #tpu.memory_space<vmem>>
    %dma_wait3A_231 = tpu.memref_squeeze %dma_wait3A_230 : memref<1x1x128xf32, #tpu.memory_space<vmem>> -> memref<128xf32, #tpu.memory_space<vmem>>
    %dma_wait3A_232 = arith.constant 0 : i32
    %dma_wait3A_233 = tpu.memref_slice %arg11[%dma_wait3A_232] : memref<327680xf32, #tpu.memory_space<hbm>> -> memref<128xf32, #tpu.memory_space<hbm>>
    %dma_wait3A_234 = tpu.memref_slice %arg18[%dma_wait3A_228] : memref<2x!tpu.dma_semaphore, #tpu.memory_space<semaphore_mem>> -> memref<1x!tpu.dma_semaphore, #tpu.memory_space<semaphore_mem>>
    %dma_wait3A_235 = tpu.memref_squeeze %dma_wait3A_234 : memref<1x!tpu.dma_semaphore, #tpu.memory_space<semaphore_mem>> -> memref<!tpu.dma_semaphore, #tpu.memory_space<semaphore_mem>>
    %dma_wait3A_236 = arith.constant 0 : i32
    %dma_wait3A_237 = tpu.memref_slice %arg11[%dma_wait3A_236] : memref<327680xf32, #tpu.memory_space<hbm>> -> memref<128xf32, #tpu.memory_space<hbm>>
    %dma_wait3A_238 = arith.constant 0 : i32
    %dma_wait3A_239 = tpu.memref_slice %arg16[%dma_wait3A_226, %dma_wait3A_227, %dma_wait3A_238] : memref<2x3x128xf32, #tpu.memory_space<vmem>> -> memref<1x1x128xf32, #tpu.memory_space<vmem>>
    %dma_wait3A_240 = tpu.memref_squeeze %dma_wait3A_239 : memref<1x1x128xf32, #tpu.memory_space<vmem>> -> memref<128xf32, #tpu.memory_space<vmem>>
    tpu.wait_dma2 semaphore(%dma_wait3A_235 : memref<!tpu.dma_semaphore, #tpu.memory_space<semaphore_mem>>) src(%dma_wait3A_240 : memref<128xf32, #tpu.memory_space<vmem>>) dst(%dma_wait3A_237 : memref<128xf32, #tpu.memory_space<hbm>>)
    return
  }
}

</mosaic_0001>

<sc_bundles>
// kernel: _pre.3.cloned.1.call-start
scs
__scs_entry_jumppad:
0x0: {  	(pc) =	sbr.rel $0x88, $3  }
0x1: {  	(tag) =	ssettag $0x0;
	lr =	simm.s32 $0x1  }
0x2: {  	[smem:$0x3F9A] =	sst lr;
	_ =	strace $0xD0000000  }
0x3: {  	_ = 	snop  }
0x4: {  	_ = 	snop  }
0x5: {  	_ = 	snop  }
0x6: {  	_ = 	snop  }
0x7: {  	_ = 	snop  }
__scs_overlays_trampoline_lowered:
0x8: {  	[smem:$0x3FA9] =	sst s0  }
0x9: {  	[smem:$0x3FAA] =	sst s1  }
0xa: {  	[smem:$0x3FAB] =	sst s2  }
0xb: {  	[smem:$0x3FAC] =	sst s3  }
0xc: {  	[smem:$0x3FAD] =	sst s4  }
0xd: {  	[smem:$0x3FAE] =	sst s5  }
0xe: {  	[smem:$0x3FAF] =	sst s6  }
0xf: {  	[smem:$0x3FB0] =	sst s7  }
0x10: {  	[smem:$0x3FB1] =	sst s8  }
0x11: {  	[smem:$0x3FB2] =	sst s9;
	s0 =	simm.s32 @!p0 $0x0  }
0x12: {  	s1 =	sld [smem:$0x3F98];
	s0 =	simm.s32 @p0 $0x1  }
0x13: {  	[smem:$0x3FB3] =	sst s0;
	s0 =	simm.s32 @!p1 $0x0  }
0x14: {  	s2 =	sld [smem:$0x3F97];
	s0 =	simm.s32 @p1 $0x1  }
0x15: {  	[smem:$0x3FB4] =	sst s0;
	s0 =	simm.s32 @!p2 $0x0  }
0x16: {  	s3 =	sld [smem:$0x3FDB];
	s0 =	simm.s32 @p2 $0x1  }
0x17: {  	s4 =	simm.s32 $0x1BF5;
	[smem:$0x3FB6] =	sst s0  }
0x18: {  	s0 =	sld [smem:$0x3F99];
	_ =	swait.ge [sflag:s4], $0x0  }
0x19: {  	s7 =	sld [smem:$0x3F9A]  }
0x1a: {  	s8 =	sadd.s32 $0xFFFFE003, lr  }
0x1b: {  	s9 =	sadd.s32 $0xFFFFFEF7, lr;
	s5 =	simm.s32 $0xFFFFFFFF;
	p2 =	slt.u32 s8, $0xFFFFF086  }
0x1c: {  	p1 =	slt.u32 s9, $0xF7A;
	s5 =	simm.s32 @!p2 $0x0  }
0x1d: {  	s5 =	simm.s32 @p1 $0x1;
	p0 =	seq.s32 s7, s2  }
0x1e: {  	s7 =	smul.u32 @!p0 $0xF7A, s2;
	p2 =	seq.s32 @!p0 s5, $0x0  }
0x1f: {  	s9 =	smul.u32 $0xF7A, s1;
	s8 =	simm.s32 @!p0 $0x1BF5;
	p2 =	por !p2, p0  }
0x20: {  	[sflag:s8] =	ssyncset.s32 @!p0 $0xFFFFF086;
	s6 =	sadd.s32 @!p0 s3, s7;
	s7 =	simm.s32 @!p0 $0x108  }
0x21: {  	s3 =	sadd.s32 s3, s9;
	s6 =	sadd.s32 @!p0 $0x88, s6;
	s7 =	simm.s32 @p2 $0x1082  }
0x22: {  	[simem:s7], [sflag:s8] =	dma.local @!p0 [hbm:s6], $0xF7A  }
0x23: {  	s9 =	sor.u32 $0xD0000000, s2;
	s6 =	simm.s32 $0x108;
	_ =	swait.ge @!p0 [sflag:s8], $0x0  }
0x24: {  	s3 =	sadd.s32 $0x88, s3;
	s6 =	simm.s32 @!p1 $0x1082;
	[sflag:s4] =	ssyncset.s32 $0xFFFFF086  }
0x25: {  	[simem:s6], [sflag:s4] =	dma.local [hbm:s3], $0xF7A  }
0x26: {  	[smem:$0x3F9A] =	sst s1;
	(tag) =	ssettag s2;
	_ =	strace s9  }
0x27: {  	s1 =	sld [smem:$0x3FAA]  }
0x28: {  	s2 =	sld [smem:$0x3FAB]  }
0x29: {  	s4 =	sld [smem:$0x3FAD]  }
0x2a: {  	p0 =	seq.s32 s5, $0x0;
	s5 =	sld [smem:$0x3FAE]  }
0x2b: {  	s6 =	sld [smem:$0x3FAF]  }
0x2c: {  	s7 =	sld [smem:$0x3FB0]  }
0x2d: {  	s3 =	simm.s32 $0x108;
	s8 =	sld [smem:$0x3FB1]  }
0x2e: {  	s3 =	simm.s32 @!p0 $0x1082;
	s9 =	sld [smem:$0x3FB2]  }
0x2f: {  	lr =	sadd.s32 s0, s3;
	s0 =	sld [smem:$0x3FA9]  }
0x30: {  	s3 =	sld [smem:$0x3FAC]  }
0x31: {  	[smem:$0x3FB5] =	sst s10  }
0x32: {  	s10 =	sld [smem:$0x3FB3];
	_ =	sdelay $0x3  }
0x33: {  	p0 =	seq.s32 s10, $0x1;
	s10 =	sld [smem:$0x3FB5];
	_ =	sdelay $0x3  }
0x34: {  	[smem:$0x3FB5] =	sst s10  }
0x35: {  	s10 =	sld [smem:$0x3FB4];
	_ =	sdelay $0x3  }
0x36: {  	p1 =	seq.s32 s10, $0x1;
	s10 =	sld [smem:$0x3FB5];
	_ =	sdelay $0x3  }
0x37: {  	[smem:$0x3FB5] =	sst s10  }
0x38: {  	s10 =	sld [smem:$0x3FB6]  }
0x39: {  	_ = 	snop;
	(pc) =	sbr.ind lr, $3  }
0x3a: {  	_ = 	snop  }
0x3b: {  	_ = 	snop  }
0x3c: {  	p2 =	seq.s32 s10, $0x1;
	s10 =	sld [smem:$0x3FB5]  }
0x3d: {  	_ =	shalt  }
0x3e: {  	_ =	shalt  }
0x3f: {  	_ =	shalt  }
0x40: {  	_ =	shalt  }
0x41: {  	_ =	shalt  }
0x42: {  	_ =	shalt  }
0x43: {  	_ =	shalt  }
0x44: {  	_ =	shalt  }
0x45: {  	_ =	shalt  }
0x46: {  	_ =	shalt  }
0x47: {  	_ =	shalt  }
0x48: {  	_ =	shalt  }
0x49: {  	_ =	shalt  }
0x4a: {  	_ =	shalt  }
0x4b: {  	_ =	shalt  }
0x4c: {  	_ =	shalt  }
0x4d: {  	_ =	shalt  }
0x4e: {  	_ =	shalt  }
0x4f: {  	_ =	shalt  }
0x50: {  	_ =	shalt  }
0x51: {  	_ =	shalt  }
0x52: {  	_ =	shalt  }
0x53: {  	_ =	shalt  }
0x54: {  	_ =	shalt  }
0x55: {  	_ =	shalt  }
0x56: {  	_ =	shalt  }
0x57: {  	_ =	shalt  }
0x58: {  	_ =	shalt  }
0x59: {  	_ =	shalt  }
0x5a: {  	_ =	shalt  }
0x5b: {  	_ =	shalt  }
0x5c: {  	_ =	shalt  }
0x5d: {  	_ =	shalt  }
0x5e: {  	_ =	shalt  }
0x5f: {  	_ =	shalt  }
0x60: {  	_ =	shalt  }
0x61: {  	_ =	shalt  }
0x62: {  	_ =	shalt  }
0x63: {  	_ =	shalt  }
0x64: {  	_ =	shalt  }
0x65: {  	_ =	shalt  }
0x66: {  	_ =	shalt  }
0x67: {  	_ =	shalt  }
0x68: {  	_ =	shalt  }
0x69: {  	_ =	shalt  }
0x6a: {  	_ =	shalt  }
0x6b: {  	_ =	shalt  }
0x6c: {  	_ =	shalt  }
0x6d: {  	_ =	shalt  }
0x6e: {  	_ =	shalt  }
0x6f: {  	_ =	shalt  }
0x70: {  	_ =	shalt  }
0x71: {  	_ =	shalt  }
0x72: {  	_ =	shalt  }
0x73: {  	_ =	shalt  }
0x74: {  	_ =	shalt  }
0x75: {  	_ =	shalt  }
0x76: {  	_ =	shalt  }
0x77: {  	_ =	shalt  }
0x78: {  	_ =	shalt  }
0x79: {  	_ =	shalt  }
0x7a: {  	_ =	shalt  }
0x7b: {  	_ =	shalt  }
0x7c: {  	_ =	shalt  }
0x7d: {  	_ =	shalt  }
0x7e: {  	_ =	shalt  }
0x7f: {  	_ =	shalt  }
0x80: {  	_ =	shalt  }
0x81: {  	_ =	shalt  }
0x82: {  	_ =	shalt  }
0x83: {  	_ =	shalt  }
0x84: {  	_ =	shalt  }
0x85: {  	_ =	shalt  }
0x86: {  	_ =	shalt  }
0x87: {  	_ =	shalt  }
.Lfunc_end0:
.L_simem_size_0:
called_computation_lowered:
.L_overlay_start_0:
0x88: {  	s2 =	sld [smem:$0x3FD9]  }
0x89: {  	s3 =	sld [smem:$0x3FFE];
	_ =	sdelay $0x1  }
0x8a: {  	s1 =	srdreg.scid  }
0x8b: {  	s0 =	sand.u32 $0x1, s1  }
0x8c: {  	s30 =	sshll.u32 s0, $0xA;
	s2 =	sadd.s32 s3, s2  }
0x8d: {  	s2 =	sadd.s32 s2, s30  }
0x8e: {  	[smem:$0x3FC1] =	sst s2  }
0x8f: {  	_ = 	snop  }
0x90: {  	s2 =	sld [smem:$0x3FC9]  }
0x91: {  	s31 =	sld [smem:$0x3FC8]  }
0x92: {  	s4 =	sld [smem:$0x3FC7]  }
0x93: {  	s5 =	sld [smem:$0x3FC6]  }
0x94: {  	s6 =	sld [smem:$0x3FD0]  }
0x95: {  	s7 =	sld [smem:$0x3FC5]  }
0x96: {  	s8 =	sld [smem:$0x3FC4]  }
0x97: {  	s10 =	simm.s32 $0xA;
	s11 =	simm.s32 $0x10;
	s9 =	sld [smem:$0x3FC3]  }
0x98: {  	[smem:s11], [sflag:s10] =	dma.local [hbm:s6], $0x1  }
0x99: {  	_ =	swait.eq [sflag:s10], $0x1  }
0x9a: {  	s11 =	sld [smem:$0x10]  }
0x9b: {  	s18 =	sld [smem:$0x11];
	[sflag:s10] =	ssyncset.done $0x0  }
0x9c: {  	s12 =	sld [smem:$0x12];
	[sflag:s10] =	ssyncadd.s32 $0xFFFFFFFF  }
0x9d: {  	s19 =	sld [smem:$0x13];
	(tm) =	ssettm $0x1  }
0x9e: {  	s13 =	sld [smem:$0x3FFB];
	_ =	sdelay $0x3  }
0x9f: {  	_ =	strace s13  }
0xa0: {  	s13 =	sld [smem:$0x3FFC];
	_ =	sdelay $0x3  }
0xa1: {  	_ =	strace s13  }
0xa2: {  	s13 =	sld [smem:$0x3FFD];
	_ =	sdelay $0x3  }
0xa3: {  	_ =	strace s13  }
0xa4: {  	_ =	strace $0x8FFFFFFF  }
0xa5: {  	s20 =	sld [smem:$0x3FDB];
	_ =	sdelay $0x1  }
0xa6: {  	s14 =	simm.s32 $_scs_section_size  }
0xa7: {  	s15 =	simm.s32 $_size__tile_overlayer_lowered;
	s16 =	simm.s32 $_tile_overlayer_lowered  }
0xa8: {  	s23 =	simm.s32 $0x1BFF;
	s22 =	sshll.u32 s16, $0x1;
	s13 =	sadd.s32 s14, s20  }
0xa9: {  	s17 =	simm.s32 $0x0;
	s21 =	sshll.u32 s15, $0x1;
	s15 =	sadd.s32 s22, s13  }
0xaa: {  	[timem:s17], [sflag:s23] =	dma.local [hbm:s15], s21  }
0xab: {  	_ =	swait.ge [sflag:s23], s21  }
0xac: {  	s14 =	ssub.s32 $0x0, s21;
	[sflag:s23] =	ssyncset.done $0x0  }
0xad: {  	[sflag:s23] =	ssyncadd.s32 s14;
	_ =	sdelay $0x1  }
0xae: {  	s24 =	simm.s32 $0x1B8B  }
0xaf: {  	_ =	swait.ge [sflag:s24], $0x1  }
0xb0: {  	[sflag:s24] =	ssyncset.done $0x0  }
0xb1: {  	s25 =	simm.s32 $0x1B8E;
	[sflag:s24] =	ssyncadd.s32 $0xFFFFFFFF  }
0xb2: {  	s26 =	simm.s32 $execute0_lowered;
	[smem:$0x3FD2] =	sst s25  }
0xb3: {  	s14 =	sshll.u32 s26, $0x1;
	_ =	strace $0x80000046;
	[dreg:$0x1] =	wrdreg $0xFFFFFFFF  }
0xb4: {  	s28 =	simm.s32 $_size_execute0_lowered;
	s13 =	sadd.s32 s13, s14;
	[dreg:$0x0] =	wrdreg $0x0  }
0xb5: {  	s14 =	sshll.u32 s28, $0x1;
	[dreg:$0x2] =	wrdreg s13  }
0xb6: {  	[dreg:$0x3] =	wrdreg s14  }
0xb7: {  	[dreg:$0x4] =	wrdreg $0xC0  }
0xb8: {  	_ =	task [dreg:s17], $0x5FFFF  }
0xb9: {  	[dreg:$0x1] =	wrdreg $0xFFFFFFFF  }
0xba: {  	[dreg:$0x0] =	wrdreg $0x60  }
0xbb: {  	[dreg:$0x2] =	wrdreg s2  }
0xbc: {  	[dreg:$0x3] =	wrdreg s31  }
0xbd: {  	[dreg:$0x4] =	wrdreg s4  }
0xbe: {  	[dreg:$0x5] =	wrdreg s5  }
0xbf: {  	[dreg:$0x6] =	wrdreg s7  }
0xc0: {  	[dreg:$0x7] =	wrdreg s8  }
0xc1: {  	[dreg:$0x8] =	wrdreg s9  }
0xc2: {  	[dreg:$0x9] =	wrdreg s11  }
0xc3: {  	[dreg:$0xa] =	wrdreg s18  }
0xc4: {  	[dreg:$0xb] =	wrdreg s12  }
0xc5: {  	[dreg:$0xc] =	wrdreg s19  }
0xc6: {  	[dreg:$0xd] =	wrdreg $0x9  }
0xc7: {  	_ =	task.clear_ibuf [dreg:s17], $0xEFFFF;
	_ =	strace $0x90000046  }
0xc8: {  	s29 =	simm.s32 $0x9;
	_ =	strace $0x80000048  }
0xc9: {  	_ =	swait.ge [sflag:s29], $0x1  }
0xca: {  	[sflag:s29] =	ssyncadd.s32 $0xFFFFFFFF  }
0xcb: {  	_ =	strace $0x90000048  }
0xcc: {  	_ =	sfence  }
0xcd: {  	s30 =	sld [smem:$0x0];
	_ =	sdelay $0x2  }
0xce: {  	s31 =	sshll.u32 s1, $0xD;
	s1 =	sshrl.u32 s1, $0x2  }
0xcf: {  	s3 =	sand.u32 $0x4000, s31;
	s1 =	sadd.s32 s1, s30  }
0xd0: {  	s0 =	sor.u32 s3, s0;
	s1 =	sshll.u32 s1, $0x11  }
0xd1: {  	s0 =	sor.u32 s1, s0  }
0xd2: {  	s0 =	sadd.s32 $0x8F2B, s0  }
0xd3: {  	[sflag:s0] =	ssyncadd.remote.s32 $0x1  }
0xd4: {  	_ =	sfence.sel $0xFFFF  }
0xd5: {  	[dreg:$0x0] =	wrdreg $0xFFFFFFFF;
	(pc) =	sbr.abs _section_cstart, $3  }
0xd6: {  	[dreg:$0x1] =	wrdreg $0xFFFFFFFF  }
0xd7: {  	_ =	task.clear_ibuf [dreg:s17], $0x2FFFF;
	_ =	strace $0x9FFFFFFF  }
0xd8: {  	(tm) =	ssettm $0x7FFFFFFF  }
0xd9: {  	_ =	shalt  }
tec
execute0_lowered:
.L_overlay_start_1:
0x0: {  	(tag) =	ssettag $0x1  }
0x1: {  	s0 =	rddreg [dreg:$0x0]  }
0x2: {  	s1 =	rddreg [dreg:$0x1]  }
0x3: {  	s2 =	rddreg [dreg:$0x2]  }
0x4: {  	s4 =	rddreg [dreg:$0x3]  }
0x5: {  	s5 =	rddreg [dreg:$0x4]  }
0x6: {  	s7 =	rddreg [dreg:$0x5]  }
0x7: {  	s3 =	rddreg [dreg:$0x6]  }
0x8: {  	s8 =	rddreg [dreg:$0x7]  }
0x9: {  	s9 =	rddreg [dreg:$0x8]  }
0xa: {  	s10 =	rddreg [dreg:$0x9];
	s6 =	srdreg.scid  }
0xb: {  	s18 =	stileid.u32;
	s11 =	rddreg [dreg:$0xa];
	s28 =	simm.s32 $0x40  }
0xc: {  	s29 =	simm.s32 $0x5C80;
	s30 =	simm.s32 $0x3;
	s12 =	sand.u32 $0x1, s6  }
0xd: {  	s13 =	sshll.u32 s18, $0x1;
	s6 =	simm.s32 $0x0;
	s19 =	smul.u32 $0x5000, s18  }
0xe: {  	s13 =	sor.u32 s12, s13;
	s15 =	ssub.s32 $0x2, s12;
	s12 =	smul.u32 $0x2800, s12  }
0xf: {  	[smem:$0x7FF] =	sst s6;
	s14 =	smul.u32 $0x2800, s13;
	s16 =	sshrl.u32 s15, $0x1  }
0x10: {  	_ =	strace $0x80000047;
	s17 =	smul.u32 $0x140, s13;
	s15 =	ssub.s32 s15, s16  }
0x11: {  	s24 =	smul.u32 $0x1400, s13;
	s14 =	sshrl.u32 s14, $0x3;
	s25 =	smax.u32 s15, $0x1  }
0x12: {  	s26 =	sshrl.u32 s17, $0x3;
	s16 =	sadd.s32 $0xC0, s17;
	s22 =	sadd.s32 $0x100, s17  }
0x13: {  	s4 =	sadd.s32 s4, s14;
	s5 =	sadd.s32 s5, s14;
	[dreg:$0xe] =	wrdreg s25  }
0x14: {  	s14 =	sadd.s32 $0x80, s17;
	s20 =	sshrl.u32 s16, $0x3;
	[dreg:$0xc] =	wrdreg s4  }
0x15: {  	s23 =	sshrl.u32 s22, $0x3;
	[dreg:$0xd] =	wrdreg s5;
	s5 =	sadd.s32 s7, s26  }
0x16: {  	s4 =	sadd.s32 s11, s24;
	[dreg:$0xf] =	wrdreg s5;
	s5 =	sadd.s32 $0x40, s17  }
0x17: {  	s21 =	sadd.s32 s7, s20;
	[dreg:$0x10] =	wrdreg s4;
	s13 =	sshrl.u32 s5, $0x3  }
0x18: {  	[dreg:$0x15] =	wrdreg s21;
	s4 =	sshll.u32 s5, $0x4;
	s5 =	sadd.s32 s7, s13  }
0x19: {  	s15 =	sshrl.u32 s14, $0x3;
	s4 =	sadd.s32 s11, s4;
	[dreg:$0x11] =	wrdreg s5  }
0x1a: {  	s13 =	sshll.u32 s14, $0x4;
	[dreg:$0x12] =	wrdreg s4;
	s4 =	sadd.s32 s7, s15  }
0x1b: {  	s13 =	sadd.s32 s11, s13;
	s5 =	sadd.s32 s12, s19;
	[dreg:$0x13] =	wrdreg s4  }
0x1c: {  	s7 =	sadd.s32 s7, s23;
	[dreg:$0x14] =	wrdreg s13;
	s4 =	sshll.u32 s16, $0x4  }
0x1d: {  	s5 =	sshrl.u32 s5, $0x3;
	[dreg:$0x17] =	wrdreg s7;
	s4 =	sadd.s32 s11, s4  }
0x1e: {  	s31 =	simm.s32 $0x4;
	s24 =	sadd.s32 s5, s10;
	[dreg:$0x16] =	wrdreg s4  }
0x1f: {  	s23 =	simm.s32 $0x5;
	s25 =	sadd.s32 s5, s9;
	[dreg:$0x19] =	wrdreg s24  }
0x20: {  	s26 =	sadd.s32 s5, s8;
	s4 =	sshll.u32 s22, $0x4;
	[dreg:$0x1a] =	wrdreg s25  }
0x21: {  	s5 =	simm.s32 $0x0;
	[dreg:$0x1b] =	wrdreg s26;
	s4 =	sadd.s32 s11, s4  }
0x22: {  	s25 =	simm.s32 $0x80;
	[dreg:$0x18] =	wrdreg s4;
	s4 =	simm.s32 $0x5C00  }
.LBB2_1:
0x23: {  	s7 =	rddreg [dreg:$0xc]  }
0x24: {  	[tilespmem:s6], [sflag:$0x5] =	stream.linear.gather [hbm4b:s7+s6], $0x2800, $0x38;
	[tilespmem:$0x7C80] =	vst v63  }
0x25: {  	_ =	swait.ge [sflag:s23], $0x2800  }
0x26: {  	[sflag:s23] =	ssyncset.done $0x0  }
0x27: {  	s8 =	simm.s32 $0x2800;
	s18 =	rddreg [dreg:$0xd];
	[sflag:s23] =	ssyncadd.s32 $0xFFFFD800  }
0x28: {  	[tilespmem:s8], [sflag:$0x5] =	stream.linear.gather [hbm4b:s18+s6], $0x2800, $0x38;
	[tilespmem:$0x7C80] =	vst v63  }
0x29: {  	_ =	swait.ge [sflag:s23], $0x2800  }
0x2a: {  	[sflag:s23] =	ssyncset.done $0x0  }
0x2b: {  	s19 =	simm.s32 $0x5000;
	[sflag:s23] =	ssyncadd.s32 $0xFFFFD800  }
0x2c: {  	[tilespmem:s19], [sflag:$0x1] =	stream.indirect.gather [hbm4b:s0+s25], $0x1, s6, s25, $0xb8;
	[tilespmem:$0x7C80] =	vst v63  }
0x2d: {  	s20 =	simm.s32 $0x5080  }
0x2e: {  	[tilespmem:s20], [sflag:$0x1] =	stream.indirect.gather [hbm4b:s0+s25], $0x1, s8, s25, $0xb8;
	[tilespmem:$0x7C80] =	vst v63  }
0x2f: {  	s21 =	simm.s32 $0x5100  }
0x30: {  	[tilespmem:s21], [sflag:$0x1] =	stream.indirect.gather [hbm4b:s1+s25], $0x1, s6, s25, $0xb8;
	[tilespmem:$0x7C80] =	vst v63  }
0x31: {  	s22 =	simm.s32 $0x5180  }
0x32: {  	[tilespmem:s22], [sflag:$0x1] =	stream.indirect.gather [hbm4b:s1+s25], $0x1, s8, s25, $0xb8;
	[tilespmem:$0x7C80] =	vst v63  }
0x33: {  	s24 =	simm.s32 $0x5200  }
0x34: {  	[tilespmem:s24], [sflag:$0x1] =	stream.indirect.gather [hbm4b:s2+s25], $0x1, s6, s25, $0xb8;
	[tilespmem:$0x7C80] =	vst v63  }
0x35: {  	s26 =	simm.s32 $0x5280  }
0x36: {  	[tilespmem:s26], [sflag:$0x1] =	stream.indirect.gather [hbm4b:s2+s25], $0x1, s8, s25, $0xb8;
	[tilespmem:$0x7C80] =	vst v63  }
0x37: {  	s8 =	simm.s32 $0x5400  }
0x38: {  	[tilespmem:s8], [sflag:$0x2] =	stream.indirect.gather [hbm4b:s0+s25], $0x1, s25, s25, $0xb8;
	[tilespmem:$0x7C80] =	vst v63  }
0x39: {  	s9 =	simm.s32 $0x2880;
	s10 =	simm.s32 $0x5480  }
0x3a: {  	[tilespmem:s10], [sflag:$0x2] =	stream.indirect.gather [hbm4b:s0+s25], $0x1, s9, s25, $0xb8;
	[tilespmem:$0x7C80] =	vst v63  }
0x3b: {  	s11 =	simm.s32 $0x5500  }
0x3c: {  	[tilespmem:s11], [sflag:$0x2] =	stream.indirect.gather [hbm4b:s1+s25], $0x1, s25, s25, $0xb8;
	[tilespmem:$0x7C80] =	vst v63  }
0x3d: {  	s12 =	simm.s32 $0x5580  }
0x3e: {  	[tilespmem:s12], [sflag:$0x2] =	stream.indirect.gather [hbm4b:s1+s25], $0x1, s9, s25, $0xb8;
	[tilespmem:$0x7C80] =	vst v63  }
0x3f: {  	s13 =	simm.s32 $0x5600  }
0x40: {  	[tilespmem:s13], [sflag:$0x2] =	stream.indirect.gather [hbm4b:s2+s25], $0x1, s25, s25, $0xb8;
	[tilespmem:$0x7C80] =	vst v63  }
0x41: {  	s14 =	simm.s32 $0x5680  }
0x42: {  	[tilespmem:s14], [sflag:$0x2] =	stream.indirect.gather [hbm4b:s2+s25], $0x1, s9, s25, $0xb8;
	[tilespmem:$0x7C80] =	vst v63  }
0x43: {  	s15 =	rddreg [dreg:$0xf]  }
0x44: {  	[tilespmem:s4], [sflag:$0x5] =	stream.linear.gather [hbm4b:s15+s6], $0x40, $0x38;
	[tilespmem:$0x7C80] =	vst v63  }
0x45: {  	_ =	swait.ge [sflag:s23], $0x40  }
0x46: {  	[sflag:s23] =	ssyncset.done $0x0  }
0x47: {  	[sflag:s23] =	ssyncadd.s32 $0xFFFFFFC0  }
0x48: {  	[tilespmem:s29], [sflag:$0x5] =	stream.indirect.gather [hbm4b:s3+s28], $0x80, s4, s28, $0xb8;
	[tilespmem:$0x7C80] =	vst v63  }
0x49: {  	_ =	swait.ge [sflag:s23], $0x2000  }
0x4a: {  	[sflag:s23] =	ssyncset.done $0x0  }
0x4b: {  	s16 =	rddreg [dreg:$0x10];
	[sflag:s23] =	ssyncadd.s32 $0xFFFFE000  }
0x4c: {  	[hbm4b:s16+s6] =	stream.linear.scatter [tilespmem:s29], [sflag:$0x5], $0x2000, $0x38;
	[tilespmem:$0x7C80] =	vst v63  }
0x4d: {  	_ =	swait.ge [sflag:s23], $0x2000  }
0x4e: {  	[sflag:s23] =	ssyncset.done $0x0  }
0x4f: {  	s17 =	rddreg [dreg:$0x11];
	[sflag:s23] =	ssyncadd.s32 $0xFFFFE000  }
0x50: {  	[tilespmem:s4], [sflag:$0x5] =	stream.linear.gather [hbm4b:s17+s6], $0x40, $0x38;
	[tilespmem:$0x7C80] =	vst v63  }
0x51: {  	_ =	swait.ge [sflag:s23], $0x40  }
0x52: {  	[sflag:s23] =	ssyncset.done $0x0  }
0x53: {  	[sflag:s23] =	ssyncadd.s32 $0xFFFFFFC0  }
0x54: {  	[tilespmem:s29], [sflag:$0x5] =	stream.indirect.gather [hbm4b:s3+s28], $0x80, s4, s28, $0xb8;
	[tilespmem:$0x7C80] =	vst v63  }
0x55: {  	_ =	swait.ge [sflag:s23], $0x2000  }
0x56: {  	[sflag:s23] =	ssyncset.done $0x0  }
0x57: {  	s18 =	rddreg [dreg:$0x12];
	[sflag:s23] =	ssyncadd.s32 $0xFFFFE000  }
0x58: {  	[hbm4b:s18+s6] =	stream.linear.scatter [tilespmem:s29], [sflag:$0x5], $0x2000, $0x38;
	[tilespmem:$0x7C80] =	vst v63  }
0x59: {  	_ =	swait.ge [sflag:s23], $0x2000  }
0x5a: {  	[sflag:s23] =	ssyncset.done $0x0  }
0x5b: {  	s19 =	rddreg [dreg:$0x13];
	[sflag:s23] =	ssyncadd.s32 $0xFFFFE000  }
0x5c: {  	[tilespmem:s4], [sflag:$0x5] =	stream.linear.gather [hbm4b:s19+s6], $0x40, $0x38;
	[tilespmem:$0x7C80] =	vst v63  }
0x5d: {  	_ =	swait.ge [sflag:s23], $0x40  }
0x5e: {  	[sflag:s23] =	ssyncset.done $0x0  }
0x5f: {  	[sflag:s23] =	ssyncadd.s32 $0xFFFFFFC0  }
0x60: {  	[tilespmem:s29], [sflag:$0x5] =	stream.indirect.gather [hbm4b:s3+s28], $0x80, s4, s28, $0xb8;
	[tilespmem:$0x7C80] =	vst v63  }
0x61: {  	_ =	swait.ge [sflag:s23], $0x2000  }
0x62: {  	[sflag:s23] =	ssyncset.done $0x0  }
0x63: {  	s20 =	rddreg [dreg:$0x14];
	[sflag:s23] =	ssyncadd.s32 $0xFFFFE000  }
0x64: {  	[hbm4b:s20+s6] =	stream.linear.scatter [tilespmem:s29], [sflag:$0x5], $0x2000, $0x38;
	[tilespmem:$0x7C80] =	vst v63  }
0x65: {  	_ =	swait.ge [sflag:s23], $0x2000  }
0x66: {  	[sflag:s23] =	ssyncset.done $0x0  }
0x67: {  	s21 =	rddreg [dreg:$0x15];
	[sflag:s23] =	ssyncadd.s32 $0xFFFFE000  }
0x68: {  	[tilespmem:s4], [sflag:$0x5] =	stream.linear.gather [hbm4b:s21+s6], $0x40, $0x38;
	[tilespmem:$0x7C80] =	vst v63  }
0x69: {  	_ =	swait.ge [sflag:s23], $0x40  }
0x6a: {  	[sflag:s23] =	ssyncset.done $0x0  }
0x6b: {  	[sflag:s23] =	ssyncadd.s32 $0xFFFFFFC0  }
0x6c: {  	[tilespmem:s29], [sflag:$0x5] =	stream.indirect.gather [hbm4b:s3+s28], $0x80, s4, s28, $0xb8;
	[tilespmem:$0x7C80] =	vst v63  }
0x6d: {  	_ =	swait.ge [sflag:s23], $0x2000  }
0x6e: {  	[sflag:s23] =	ssyncset.done $0x0  }
0x6f: {  	s22 =	rddreg [dreg:$0x16];
	[sflag:s23] =	ssyncadd.s32 $0xFFFFE000  }
0x70: {  	[hbm4b:s22+s6] =	stream.linear.scatter [tilespmem:s29], [sflag:$0x5], $0x2000, $0x38;
	[tilespmem:$0x7C80] =	vst v63  }
0x71: {  	_ =	swait.ge [sflag:s23], $0x2000  }
0x72: {  	[sflag:s23] =	ssyncset.done $0x0  }
0x73: {  	s24 =	rddreg [dreg:$0x17];
	[sflag:s23] =	ssyncadd.s32 $0xFFFFE000  }
0x74: {  	[tilespmem:s4], [sflag:$0x5] =	stream.linear.gather [hbm4b:s24+s6], $0x40, $0x38;
	[tilespmem:$0x7C80] =	vst v63  }
0x75: {  	_ =	swait.ge [sflag:s23], $0x40  }
0x76: {  	[sflag:s23] =	ssyncset.done $0x0  }
0x77: {  	[sflag:s23] =	ssyncadd.s32 $0xFFFFFFC0  }
0x78: {  	[tilespmem:s29], [sflag:$0x5] =	stream.indirect.gather [hbm4b:s3+s28], $0x80, s4, s28, $0xb8;
	[tilespmem:$0x7C80] =	vst v63  }
0x79: {  	_ =	swait.ge [sflag:s23], $0x2000  }
0x7a: {  	[sflag:s23] =	ssyncset.done $0x0  }
0x7b: {  	s26 =	rddreg [dreg:$0x18];
	[sflag:s23] =	ssyncadd.s32 $0xFFFFE000  }
0x7c: {  	[hbm4b:s26+s6] =	stream.linear.scatter [tilespmem:s29], [sflag:$0x5], $0x2000, $0x38;
	[tilespmem:$0x7C80] =	vst v63  }
0x7d: {  	_ =	swait.ge [sflag:s23], $0x2000  }
0x7e: {  	p0 =	por $0x1, $0x1;
	s8 =	sand.u32 $0x1, s6;
	[sflag:s23] =	ssyncset.done $0x0  }
0x7f: {  	s7 =	sadd.s32 @!p0 $0x3, s8;
	[sflag:s23] =	ssyncadd.s32 $0xFFFFE000  }
0x80: {  	_ =	swait.ge @!p0 [sflag:s7], $0x80  }
0x81: {  	[sflag:s7] =	ssyncset.done @!p0 $0x0  }
0x82: {  	[sflag:s7] =	ssyncadd.s32 @!p0 $0xFFFFFF80  }
0x83: {  	_ =	swait.ge @!p0 [sflag:s7], $0x80  }
0x84: {  	[sflag:s7] =	ssyncset.done @!p0 $0x0  }
0x85: {  	[sflag:s7] =	ssyncadd.s32 @!p0 $0xFFFFFF80  }
0x86: {  	_ =	swait.ge @!p0 [sflag:s7], $0x80  }
0x87: {  	[sflag:s7] =	ssyncset.done @!p0 $0x0  }
0x88: {  	[sflag:s7] =	ssyncadd.s32 @!p0 $0xFFFFFF80;
	s7 =	sadd.s32 $0x1, s8  }
0x89: {  	_ =	swait.ge [sflag:s7], $0x80  }
0x8a: {  	[sflag:s7] =	ssyncset.done $0x0  }
0x8b: {  	[sflag:s7] =	ssyncadd.s32 $0xFFFFFF80  }
0x8c: {  	_ =	swait.ge [sflag:s7], $0x80  }
0x8d: {  	[sflag:s7] =	ssyncset.done $0x0  }
0x8e: {  	[sflag:s7] =	ssyncadd.s32 $0xFFFFFF80  }
0x8f: {  	_ =	swait.ge [sflag:s7], $0x80  }
0x90: {  	[sflag:s7] =	ssyncset.done $0x0  }
0x91: {  	[sflag:s7] =	ssyncadd.s32 $0xFFFFFF80  }
0x92: {  	_ =	swait.ge [sflag:s7], $0x80  }
0x93: {  	[sflag:s7] =	ssyncset.done $0x0  }
0x94: {  	[sflag:s7] =	ssyncadd.s32 $0xFFFFFF80  }
0x95: {  	_ =	swait.ge [sflag:s7], $0x80  }
0x96: {  	[sflag:s7] =	ssyncset.done $0x0  }
0x97: {  	[sflag:s7] =	ssyncadd.s32 $0xFFFFFF80  }
0x98: {  	_ =	swait.ge [sflag:s7], $0x80  }
0x99: {  	[sflag:s7] =	ssyncset.done $0x0  }
0x9a: {  	s9 =	sshll.u32 s8, $0xA;
	[sflag:s7] =	ssyncadd.s32 $0xFFFFFF80  }
0x9b: {  	v0 =	vld [tilespmem:s9+$0x5000]  }
0x9c: {  	v1 =	vld [tilespmem:s9+$0x5080];
	_ =	sdelay $0x4  }
0x9d: {  	v0 =	vsub.f32 v0, v1  }
0x9e: {  	s26 =	sshll.u32 s8, $0x9  }
0x9f: {  	[tilespmem:s26+$0x5800] =	vst v0  }
0xa0: {  	v0 =	vld [tilespmem:s9+$0x5100]  }
0xa1: {  	v42 =	vld [tilespmem:s9+$0x5180];
	_ =	sdelay $0x4  }
0xa2: {  	v0 =	vsub.f32 v0, v42;
	_ =	sdelay $0x1  }
0xa3: {  	[tilespmem:s26+$0x5880] =	vst v0  }
0xa4: {  	v0 =	vld [tilespmem:s9+$0x5200]  }
0xa5: {  	v43 =	vld [tilespmem:s9+$0x5280];
	_ =	sdelay $0x4  }
0xa6: {  	v0 =	vsub.f32 v0, v43;
	_ =	sdelay $0x1  }
0xa7: {  	[tilespmem:s26+$0x5900] =	vst v0  }
0xa8: {  	v0 =	vld [tilespmem:s9+$0x5010]  }
0xa9: {  	v44 =	vld [tilespmem:s9+$0x5090];
	_ =	sdelay $0x4  }
0xaa: {  	v0 =	vsub.f32 v0, v44;
	_ =	sdelay $0x1  }
0xab: {  	[tilespmem:s26+$0x5810] =	vst v0  }
0xac: {  	v0 =	vld [tilespmem:s9+$0x5110]  }
0xad: {  	v45 =	vld [tilespmem:s9+$0x5190];
	_ =	sdelay $0x4  }
0xae: {  	v0 =	vsub.f32 v0, v45;
	_ =	sdelay $0x1  }
0xaf: {  	[tilespmem:s26+$0x5890] =	vst v0  }
0xb0: {  	v0 =	vld [tilespmem:s9+$0x5210]  }
0xb1: {  	v46 =	vld [tilespmem:s9+$0x5290];
	_ =	sdelay $0x4  }
0xb2: {  	v0 =	vsub.f32 v0, v46;
	_ =	sdelay $0x1  }
0xb3: {  	[tilespmem:s26+$0x5910] =	vst v0  }
0xb4: {  	v0 =	vld [tilespmem:s9+$0x5020]  }
0xb5: {  	v47 =	vld [tilespmem:s9+$0x50A0];
	_ =	sdelay $0x4  }
0xb6: {  	v0 =	vsub.f32 v0, v47;
	_ =	sdelay $0x1  }
0xb7: {  	[tilespmem:s26+$0x5820] =	vst v0  }
0xb8: {  	v0 =	vld [tilespmem:s9+$0x5120]  }
0xb9: {  	v48 =	vld [tilespmem:s9+$0x51A0];
	_ =	sdelay $0x4  }
0xba: {  	v0 =	vsub.f32 v0, v48;
	_ =	sdelay $0x1  }
0xbb: {  	[tilespmem:s26+$0x58A0] =	vst v0  }
0xbc: {  	v0 =	vld [tilespmem:s9+$0x5220]  }
0xbd: {  	v49 =	vld [tilespmem:s9+$0x52A0];
	_ =	sdelay $0x4  }
0xbe: {  	v0 =	vsub.f32 v0, v49;
	_ =	sdelay $0x1  }
0xbf: {  	[tilespmem:s26+$0x5920] =	vst v0  }
0xc0: {  	v0 =	vld [tilespmem:s9+$0x5030]  }
0xc1: {  	v50 =	vld [tilespmem:s9+$0x50B0];
	_ =	sdelay $0x4  }
0xc2: {  	v0 =	vsub.f32 v0, v50;
	_ =	sdelay $0x1  }
0xc3: {  	[tilespmem:s26+$0x5830] =	vst v0  }
0xc4: {  	v0 =	vld [tilespmem:s9+$0x5130]  }
0xc5: {  	v51 =	vld [tilespmem:s9+$0x51B0];
	_ =	sdelay $0x4  }
0xc6: {  	v0 =	vsub.f32 v0, v51;
	_ =	sdelay $0x1  }
0xc7: {  	[tilespmem:s26+$0x58B0] =	vst v0  }
0xc8: {  	v0 =	vld [tilespmem:s9+$0x5230]  }
0xc9: {  	v52 =	vld [tilespmem:s9+$0x52B0];
	_ =	sdelay $0x4  }
0xca: {  	v0 =	vsub.f32 v0, v52;
	_ =	sdelay $0x1  }
0xcb: {  	[tilespmem:s26+$0x5930] =	vst v0  }
0xcc: {  	v0 =	vld [tilespmem:s9+$0x5040]  }
0xcd: {  	v53 =	vld [tilespmem:s9+$0x50C0];
	_ =	sdelay $0x4  }
0xce: {  	v0 =	vsub.f32 v0, v53;
	_ =	sdelay $0x1  }
0xcf: {  	[tilespmem:s26+$0x5840] =	vst v0  }
0xd0: {  	v0 =	vld [tilespmem:s9+$0x5140]  }
0xd1: {  	v54 =	vld [tilespmem:s9+$0x51C0];
	_ =	sdelay $0x4  }
0xd2: {  	v0 =	vsub.f32 v0, v54;
	_ =	sdelay $0x1  }
0xd3: {  	[tilespmem:s26+$0x58C0] =	vst v0  }
0xd4: {  	v0 =	vld [tilespmem:s9+$0x5240]  }
0xd5: {  	v55 =	vld [tilespmem:s9+$0x52C0];
	_ =	sdelay $0x4  }
0xd6: {  	v0 =	vsub.f32 v0, v55;
	_ =	sdelay $0x1  }
0xd7: {  	[tilespmem:s26+$0x5940] =	vst v0  }
0xd8: {  	v0 =	vld [tilespmem:s9+$0x5050]  }
0xd9: {  	v56 =	vld [tilespmem:s9+$0x50D0];
	_ =	sdelay $0x4  }
0xda: {  	v0 =	vsub.f32 v0, v56;
	_ =	sdelay $0x1  }
0xdb: {  	[tilespmem:s26+$0x5850] =	vst v0  }
0xdc: {  	v0 =	vld [tilespmem:s9+$0x5150]  }
0xdd: {  	v57 =	vld [tilespmem:s9+$0x51D0];
	_ =	sdelay $0x4  }
0xde: {  	v0 =	vsub.f32 v0, v57;
	_ =	sdelay $0x1  }
0xdf: {  	[tilespmem:s26+$0x58D0] =	vst v0  }
0xe0: {  	v0 =	vld [tilespmem:s9+$0x5250]  }
0xe1: {  	v58 =	vld [tilespmem:s9+$0x52D0];
	_ =	sdelay $0x4  }
0xe2: {  	v0 =	vsub.f32 v0, v58;
	_ =	sdelay $0x1  }
0xe3: {  	[tilespmem:s26+$0x5950] =	vst v0  }
0xe4: {  	v0 =	vld [tilespmem:s9+$0x5060]  }
0xe5: {  	v59 =	vld [tilespmem:s9+$0x50E0];
	_ =	sdelay $0x4  }
0xe6: {  	v0 =	vsub.f32 v0, v59;
	_ =	sdelay $0x1  }
0xe7: {  	[tilespmem:s26+$0x5860] =	vst v0  }
0xe8: {  	v0 =	vld [tilespmem:s9+$0x5160]  }
0xe9: {  	v60 =	vld [tilespmem:s9+$0x51E0];
	_ =	sdelay $0x4  }
0xea: {  	v0 =	vsub.f32 v0, v60;
	_ =	sdelay $0x1  }
0xeb: {  	[tilespmem:s26+$0x58E0] =	vst v0  }
0xec: {  	v0 =	vld [tilespmem:s9+$0x5260]  }
0xed: {  	v61 =	vld [tilespmem:s9+$0x52E0];
	_ =	sdelay $0x4  }
0xee: {  	v0 =	vsub.f32 v0, v61;
	_ =	sdelay $0x1  }
0xef: {  	[tilespmem:s26+$0x5960] =	vst v0  }
0xf0: {  	v0 =	vld [tilespmem:s9+$0x5070]  }
0xf1: {  	v62 =	vld [tilespmem:s9+$0x50F0];
	_ =	sdelay $0x4  }
0xf2: {  	v0 =	vsub.f32 v0, v62;
	_ =	sdelay $0x1  }
0xf3: {  	[tilespmem:s26+$0x5870] =	vst v0  }
0xf4: {  	v0 =	vld [tilespmem:s9+$0x5170]  }
0xf5: {  	v63 =	vld [tilespmem:s9+$0x51F0];
	_ =	sdelay $0x3  }
0xf6: {  	s10 =	simm.s32 $0x2900;
	s11 =	simm.s32 $0x100;
	s20 =	rddreg [dreg:$0x19]  }
0xf7: {  	s12 =	simm.s32 $0x0;
	s13 =	simm.s32 $0x2900;
	s21 =	rddreg [dreg:$0x1a];
	v0 =	vsub.f32 v0, v63  }
0xf8: {  	s14 =	simm.s32 $0x100;
	s15 =	simm.s32 $0x1;
	s22 =	rddreg [dreg:$0x1b]  }
0xf9: {  	s18 =	sadd.s32 $0x10, s20;
	s19 =	sadd.s32 $0x10, s21;
	s24 =	sadd.s32 $0x10, s22;
	[tilespmem:s26+$0x58F0] =	vst v0  }
.LBB2_2:
0xfa: {  	s13 =	sadd.s32 $0x80, s13  }
0xfb: {  	v0 =	vld [tilespmem:s9+$0x52F0];
	s14 =	sadd.s32 $0x80, s14;
	s16 =	smov.u32 s15;
	s15 =	sadd.s32 $0x1, s15  }
0xfc: {  	p0 =	sne.s32 s15, $0x50;
	v1 =	vld [tilespmem:s9+$0x5270];
	_ =	sdelay $0x4  }
0xfd: {  	v0 =	vsub.f32 v1, v0;
	_ =	sdelay $0x1  }
0xfe: {  	s17 =	sor.u32 $0x5800, s26;
	s8 =	sadd.s32 $0x3, s8;
	[tilespmem:s26+$0x5970] =	vst v0  }
0xff: {  	[hbm4b:s22+s6] =	stream.linear.scatter [tilespmem:s17], [sflag:s8], $0x80, $0x38;
	[tilespmem:$0x7C80] =	vst v63  }
0x100: {  	s17 =	sor.u32 $0x5880, s26;
	s22 =	smov.u32 s24  }
0x101: {  	[hbm4b:s21+s6] =	stream.linear.scatter [tilespmem:s17], [sflag:s8], $0x80, $0x38;
	[tilespmem:$0x7C80] =	vst v63  }
0x102: {  	p1 =	sgt.u32 s12, $0x4D;
	s12 =	smov.u32 s16;
	s17 =	sor.u32 $0x5900, s26  }
0x103: {  	[hbm4b:s20+s6] =	stream.linear.scatter [tilespmem:s17], [sflag:s8], $0x80, $0x38;
	[tilespmem:$0x7C80] =	vst v63  }
0x104: {  	s16 =	simm.s32 @!p1 $0x80;
	s8 =	sor.u32 $0x5000, s9;
	s20 =	smov.u32 s18  }
0x105: {  	[tilespmem:s8], [sflag:s7] =	stream.indirect.gather @!p1 [hbm4b:s0+s16], $0x1, s11, s16, $0xb8;
	[tilespmem:$0x7C80] =	vst v63  }
0x106: {  	s21 =	smov.u32 s19;
	s8 =	sor.u32 $0x5080, s9  }
0x107: {  	[tilespmem:s8], [sflag:s7] =	stream.indirect.gather @!p1 [hbm4b:s0+s16], $0x1, s10, s16, $0xb8;
	[tilespmem:$0x7C80] =	vst v63  }
0x108: {  	s8 =	sor.u32 $0x5100, s9  }
0x109: {  	[tilespmem:s8], [sflag:s7] =	stream.indirect.gather @!p1 [hbm4b:s1+s16], $0x1, s11, s16, $0xb8;
	[tilespmem:$0x7C80] =	vst v63  }
0x10a: {  	s8 =	sor.u32 $0x5180, s9  }
0x10b: {  	[tilespmem:s8], [sflag:s7] =	stream.indirect.gather @!p1 [hbm4b:s1+s16], $0x1, s10, s16, $0xb8;
	[tilespmem:$0x7C80] =	vst v63  }
0x10c: {  	p2 =	slt.u32 s12, $0x2;
	s17 =	sor.u32 $0x5200, s9;
	s8 =	sand.u32 $0x1, s12  }
0x10d: {  	[tilespmem:s17], [sflag:s7] =	stream.indirect.gather @!p1 [hbm4b:s2+s16], $0x1, s11, s16, $0xb8;
	[tilespmem:$0x7C80] =	vst v63  }
0x10e: {  	s9 =	sor.u32 $0x5280, s9;
	s17 =	sadd.s32 @!p2 $0x3, s8;
	s11 =	smov.u32 s14  }
0x10f: {  	[tilespmem:s9], [sflag:s7] =	stream.indirect.gather @!p1 [hbm4b:s2+s16], $0x1, s10, s16, $0xb8;
	[tilespmem:$0x7C80] =	vst v63  }
0x110: {  	s10 =	smov.u32 s13;
	_ =	swait.ge @!p2 [sflag:s17], $0x80  }
0x111: {  	[sflag:s17] =	ssyncset.done @!p2 $0x0  }
0x112: {  	[sflag:s17] =	ssyncadd.s32 @!p2 $0xFFFFFF80  }
0x113: {  	_ =	swait.ge @!p2 [sflag:s17], $0x80  }
0x114: {  	[sflag:s17] =	ssyncset.done @!p2 $0x0  }
0x115: {  	[sflag:s17] =	ssyncadd.s32 @!p2 $0xFFFFFF80  }
0x116: {  	_ =	swait.ge @!p2 [sflag:s17], $0x80  }
0x117: {  	[sflag:s17] =	ssyncset.done @!p2 $0x0  }
0x118: {  	s7 =	sadd.s32 $0x1, s8;
	[sflag:s17] =	ssyncadd.s32 @!p2 $0xFFFFFF80  }
0x119: {  	_ =	swait.ge [sflag:s7], $0x80  }
0x11a: {  	[sflag:s7] =	ssyncset.done $0x0  }
0x11b: {  	[sflag:s7] =	ssyncadd.s32 $0xFFFFFF80  }
0x11c: {  	_ =	swait.ge [sflag:s7], $0x80  }
0x11d: {  	[sflag:s7] =	ssyncset.done $0x0  }
0x11e: {  	[sflag:s7] =	ssyncadd.s32 $0xFFFFFF80  }
0x11f: {  	_ =	swait.ge [sflag:s7], $0x80  }
0x120: {  	[sflag:s7] =	ssyncset.done $0x0  }
0x121: {  	[sflag:s7] =	ssyncadd.s32 $0xFFFFFF80  }
0x122: {  	_ =	swait.ge [sflag:s7], $0x80  }
0x123: {  	[sflag:s7] =	ssyncset.done $0x0  }
0x124: {  	[sflag:s7] =	ssyncadd.s32 $0xFFFFFF80  }
0x125: {  	_ =	swait.ge [sflag:s7], $0x80  }
0x126: {  	[sflag:s7] =	ssyncset.done $0x0  }
0x127: {  	[sflag:s7] =	ssyncadd.s32 $0xFFFFFF80  }
0x128: {  	_ =	swait.ge [sflag:s7], $0x80  }
0x129: {  	[sflag:s7] =	ssyncset.done $0x0  }
0x12a: {  	s9 =	sshll.u32 s8, $0xA;
	[sflag:s7] =	ssyncadd.s32 $0xFFFFFF80  }
0x12b: {  	v0 =	vld [tilespmem:s9+$0x5000]  }
0x12c: {  	v1 =	vld [tilespmem:s9+$0x5080];
	_ =	sdelay $0x4  }
0x12d: {  	v0 =	vsub.f32 v0, v1  }
0x12e: {  	s26 =	sshll.u32 s8, $0x9  }
0x12f: {  	[tilespmem:s26+$0x5800] =	vst v0  }
0x130: {  	v0 =	vld [tilespmem:s9+$0x5100]  }
0x131: {  	v1 =	vld [tilespmem:s9+$0x5180];
	_ =	sdelay $0x4  }
0x132: {  	v0 =	vsub.f32 v0, v1;
	_ =	sdelay $0x1  }
0x133: {  	[tilespmem:s26+$0x5880] =	vst v0  }
0x134: {  	v0 =	vld [tilespmem:s9+$0x5200]  }
0x135: {  	v1 =	vld [tilespmem:s9+$0x5280];
	_ =	sdelay $0x4  }
0x136: {  	v0 =	vsub.f32 v0, v1;
	_ =	sdelay $0x1  }
0x137: {  	[tilespmem:s26+$0x5900] =	vst v0  }
0x138: {  	v0 =	vld [tilespmem:s9+$0x5010]  }
0x139: {  	v1 =	vld [tilespmem:s9+$0x5090];
	_ =	sdelay $0x4  }
0x13a: {  	v0 =	vsub.f32 v0, v1;
	_ =	sdelay $0x1  }
0x13b: {  	[tilespmem:s26+$0x5810] =	vst v0  }
0x13c: {  	v0 =	vld [tilespmem:s9+$0x5110]  }
0x13d: {  	v1 =	vld [tilespmem:s9+$0x5190];
	_ =	sdelay $0x4  }
0x13e: {  	v0 =	vsub.f32 v0, v1;
	_ =	sdelay $0x1  }
0x13f: {  	[tilespmem:s26+$0x5890] =	vst v0  }
0x140: {  	v0 =	vld [tilespmem:s9+$0x5210]  }
0x141: {  	v1 =	vld [tilespmem:s9+$0x5290];
	_ =	sdelay $0x4  }
0x142: {  	v0 =	vsub.f32 v0, v1;
	_ =	sdelay $0x1  }
0x143: {  	[tilespmem:s26+$0x5910] =	vst v0  }
0x144: {  	v0 =	vld [tilespmem:s9+$0x5020]  }
0x145: {  	v1 =	vld [tilespmem:s9+$0x50A0];
	_ =	sdelay $0x4  }
0x146: {  	v0 =	vsub.f32 v0, v1;
	_ =	sdelay $0x1  }
0x147: {  	[tilespmem:s26+$0x5820] =	vst v0  }
0x148: {  	v0 =	vld [tilespmem:s9+$0x5120]  }
0x149: {  	v1 =	vld [tilespmem:s9+$0x51A0];
	_ =	sdelay $0x4  }
0x14a: {  	v0 =	vsub.f32 v0, v1;
	_ =	sdelay $0x1  }
0x14b: {  	[tilespmem:s26+$0x58A0] =	vst v0  }
0x14c: {  	v0 =	vld [tilespmem:s9+$0x5220]  }
0x14d: {  	v1 =	vld [tilespmem:s9+$0x52A0];
	_ =	sdelay $0x4  }
0x14e: {  	v0 =	vsub.f32 v0, v1;
	_ =	sdelay $0x1  }
0x14f: {  	[tilespmem:s26+$0x5920] =	vst v0  }
0x150: {  	v0 =	vld [tilespmem:s9+$0x5030]  }
0x151: {  	v1 =	vld [tilespmem:s9+$0x50B0];
	_ =	sdelay $0x4  }
0x152: {  	v0 =	vsub.f32 v0, v1;
	_ =	sdelay $0x1  }
0x153: {  	[tilespmem:s26+$0x5830] =	vst v0  }
0x154: {  	v0 =	vld [tilespmem:s9+$0x5130]  }
0x155: {  	v1 =	vld [tilespmem:s9+$0x51B0];
	_ =	sdelay $0x4  }
0x156: {  	v0 =	vsub.f32 v0, v1;
	_ =	sdelay $0x1  }
0x157: {  	[tilespmem:s26+$0x58B0] =	vst v0  }
0x158: {  	v0 =	vld [tilespmem:s9+$0x5230]  }
0x159: {  	v1 =	vld [tilespmem:s9+$0x52B0];
	_ =	sdelay $0x4  }
0x15a: {  	v0 =	vsub.f32 v0, v1;
	_ =	sdelay $0x1  }
0x15b: {  	[tilespmem:s26+$0x5930] =	vst v0  }
0x15c: {  	v0 =	vld [tilespmem:s9+$0x5040]  }
0x15d: {  	v1 =	vld [tilespmem:s9+$0x50C0];
	_ =	sdelay $0x4  }
0x15e: {  	v0 =	vsub.f32 v0, v1;
	_ =	sdelay $0x1  }
0x15f: {  	[tilespmem:s26+$0x5840] =	vst v0  }
0x160: {  	v0 =	vld [tilespmem:s9+$0x5140]  }
0x161: {  	v1 =	vld [tilespmem:s9+$0x51C0];
	_ =	sdelay $0x4  }
0x162: {  	v0 =	vsub.f32 v0, v1;
	_ =	sdelay $0x1  }
0x163: {  	[tilespmem:s26+$0x58C0] =	vst v0  }
0x164: {  	v0 =	vld [tilespmem:s9+$0x5240]  }
0x165: {  	v1 =	vld [tilespmem:s9+$0x52C0];
	_ =	sdelay $0x4  }
0x166: {  	v0 =	vsub.f32 v0, v1;
	_ =	sdelay $0x1  }
0x167: {  	[tilespmem:s26+$0x5940] =	vst v0  }
0x168: {  	v0 =	vld [tilespmem:s9+$0x5050]  }
0x169: {  	v1 =	vld [tilespmem:s9+$0x50D0];
	_ =	sdelay $0x4  }
0x16a: {  	v0 =	vsub.f32 v0, v1;
	_ =	sdelay $0x1  }
0x16b: {  	[tilespmem:s26+$0x5850] =	vst v0  }
0x16c: {  	v0 =	vld [tilespmem:s9+$0x5150]  }
0x16d: {  	v1 =	vld [tilespmem:s9+$0x51D0];
	_ =	sdelay $0x4  }
0x16e: {  	v0 =	vsub.f32 v0, v1;
	_ =	sdelay $0x1  }
0x16f: {  	[tilespmem:s26+$0x58D0] =	vst v0  }
0x170: {  	v0 =	vld [tilespmem:s9+$0x5250]  }
0x171: {  	v1 =	vld [tilespmem:s9+$0x52D0];
	_ =	sdelay $0x4  }
0x172: {  	v0 =	vsub.f32 v0, v1;
	_ =	sdelay $0x1  }
0x173: {  	[tilespmem:s26+$0x5950] =	vst v0  }
0x174: {  	v0 =	vld [tilespmem:s9+$0x5060]  }
0x175: {  	v1 =	vld [tilespmem:s9+$0x50E0];
	_ =	sdelay $0x4  }
0x176: {  	v0 =	vsub.f32 v0, v1;
	_ =	sdelay $0x1  }
0x177: {  	[tilespmem:s26+$0x5860] =	vst v0  }
0x178: {  	v0 =	vld [tilespmem:s9+$0x5160]  }
0x179: {  	v1 =	vld [tilespmem:s9+$0x51E0];
	_ =	sdelay $0x4  }
0x17a: {  	v0 =	vsub.f32 v0, v1;
	_ =	sdelay $0x1  }
0x17b: {  	[tilespmem:s26+$0x58E0] =	vst v0  }
0x17c: {  	v0 =	vld [tilespmem:s9+$0x5260]  }
0x17d: {  	v1 =	vld [tilespmem:s9+$0x52E0];
	_ =	sdelay $0x4  }
0x17e: {  	v0 =	vsub.f32 v0, v1;
	_ =	sdelay $0x1  }
0x17f: {  	[tilespmem:s26+$0x5960] =	vst v0  }
0x180: {  	v0 =	vld [tilespmem:s9+$0x5070]  }
0x181: {  	v1 =	vld [tilespmem:s9+$0x50F0];
	_ =	sdelay $0x4  }
0x182: {  	v0 =	vsub.f32 v0, v1;
	_ =	sdelay $0x1  }
0x183: {  	[tilespmem:s26+$0x5870] =	vst v0  }
0x184: {  	v0 =	vld [tilespmem:s9+$0x5170]  }
0x185: {  	v1 =	vld [tilespmem:s9+$0x51F0];
	_ =	sdelay $0x2  }
.Ltmp0:
0x186: {  	(pc) =	sbr.rel @p0 .LBB2_2-.Ltmp0, $3  }
0x187: {  	_ = 	snop  }
0x188: {  	v0 =	vsub.f32 v0, v1;
	_ =	sdelay $0x1  }
0x189: {  	s24 =	sadd.s32 $0x10, s24;
	s19 =	sadd.s32 $0x10, s19;
	s18 =	sadd.s32 $0x10, s18;
	[tilespmem:s26+$0x58F0] =	vst v0  }
0x18a: {  	v0 =	vld [tilespmem:s9+$0x52F0]  }
0x18b: {  	v1 =	vld [tilespmem:s9+$0x5270];
	_ =	sdelay $0x4  }
0x18c: {  	v0 =	vsub.f32 v1, v0;
	_ =	sdelay $0x1  }
0x18d: {  	s13 =	sor.u32 $0x5800, s26;
	s8 =	sadd.s32 $0x3, s8;
	[tilespmem:s26+$0x5970] =	vst v0  }
0x18e: {  	[hbm4b:s22+s6] =	stream.linear.scatter [tilespmem:s13], [sflag:s8], $0x80, $0x38;
	[tilespmem:$0x7C80] =	vst v63  }
0x18f: {  	s22 =	sor.u32 $0x5880, s26  }
0x190: {  	[hbm4b:s21+s6] =	stream.linear.scatter [tilespmem:s22], [sflag:s8], $0x80, $0x38;
	[tilespmem:$0x7C80] =	vst v63  }
0x191: {  	s24 =	sor.u32 $0x5900, s26;
	p0 =	sgt.u32 s12, $0x4D  }
0x192: {  	[hbm4b:s20+s6] =	stream.linear.scatter [tilespmem:s24], [sflag:s8], $0x80, $0x38;
	[tilespmem:$0x7C80] =	vst v63  }
0x193: {  	s12 =	simm.s32 @!p0 $0x80;
	s8 =	sor.u32 $0x5000, s9  }
0x194: {  	[tilespmem:s8], [sflag:s7] =	stream.indirect.gather @!p0 [hbm4b:s0+s12], $0x1, s11, s12, $0xb8;
	[tilespmem:$0x7C80] =	vst v63  }
0x195: {  	s8 =	sor.u32 $0x5080, s9  }
0x196: {  	[tilespmem:s8], [sflag:s7] =	stream.indirect.gather @!p0 [hbm4b:s0+s12], $0x1, s10, s12, $0xb8;
	[tilespmem:$0x7C80] =	vst v63  }
0x197: {  	s8 =	sor.u32 $0x5100, s9  }
0x198: {  	[tilespmem:s8], [sflag:s7] =	stream.indirect.gather @!p0 [hbm4b:s1+s12], $0x1, s11, s12, $0xb8;
	[tilespmem:$0x7C80] =	vst v63  }
0x199: {  	s8 =	sor.u32 $0x5180, s9  }
0x19a: {  	[tilespmem:s8], [sflag:s7] =	stream.indirect.gather @!p0 [hbm4b:s1+s12], $0x1, s10, s12, $0xb8;
	[tilespmem:$0x7C80] =	vst v63  }
0x19b: {  	s8 =	sor.u32 $0x5200, s9  }
0x19c: {  	[tilespmem:s8], [sflag:s7] =	stream.indirect.gather @!p0 [hbm4b:s2+s12], $0x1, s11, s12, $0xb8;
	[tilespmem:$0x7C80] =	vst v63  }
0x19d: {  	s8 =	sor.u32 $0x5280, s9  }
0x19e: {  	[tilespmem:s8], [sflag:s7] =	stream.indirect.gather @!p0 [hbm4b:s2+s12], $0x1, s10, s12, $0xb8;
	[tilespmem:$0x7C80] =	vst v63  }
0x19f: {  	_ =	swait.ge [sflag:s30], $0x80  }
0x1a0: {  	[sflag:s30] =	ssyncset.done $0x0  }
0x1a1: {  	[sflag:s30] =	ssyncadd.s32 $0xFFFFFF80  }
0x1a2: {  	_ =	swait.ge [sflag:s30], $0x80  }
0x1a3: {  	[sflag:s30] =	ssyncset.done $0x0  }
0x1a4: {  	[sflag:s30] =	ssyncadd.s32 $0xFFFFFF80  }
0x1a5: {  	_ =	swait.ge [sflag:s30], $0x80  }
0x1a6: {  	[sflag:s30] =	ssyncset.done $0x0  }
0x1a7: {  	[sflag:s30] =	ssyncadd.s32 $0xFFFFFF80  }
0x1a8: {  	_ =	swait.ge [sflag:s31], $0x80  }
0x1a9: {  	[sflag:s31] =	ssyncset.done $0x0  }
0x1aa: {  	[sflag:s31] =	ssyncadd.s32 $0xFFFFFF80  }
0x1ab: {  	_ =	swait.ge [sflag:s31], $0x80  }
0x1ac: {  	[sflag:s31] =	ssyncset.done $0x0  }
0x1ad: {  	[sflag:s31] =	ssyncadd.s32 $0xFFFFFF80  }
0x1ae: {  	_ =	swait.ge [sflag:s31], $0x80  }
0x1af: {  	s5 =	sadd.s32 $0x1, s5;
	s26 =	rddreg [dreg:$0xe]  }
0x1b0: {  	p0 =	sne.s32 s5, s26  }
.Ltmp1:
0x1b1: {  	_ = 	snop;
	(pc) =	sbr.rel @p0 .LBB2_1-.Ltmp1, $3  }
0x1b2: {  	_ =	sdelay $0x1  }
0x1b3: {  	[sflag:s31] =	ssyncset.done $0x0  }
0x1b4: {  	[sflag:s31] =	ssyncadd.s32 $0xFFFFFF80  }
0x1b5: {  	_ =	sfence.sel $0x180000  }
0x1b6: {  	[bflag:$0x0] =	sbarrier.arrive $0xFFFF  }
0x1b7: {  	_ =	strace $0x90000047  }
0x1b8: {  	s0 =	stileid.u32;
	[bflag:$0x2] =	sbarrier.arrive $0xFFFF  }
0x1b9: {  	p0 =	sne.s32 s0, $0x0;
	s0 =	rddreg [dreg:$0xb]  }
0x1ba: {  	s0 =	sadd.s32 @!p0 $0x100000, s0  }
0x1bb: {  	[sflag:s0] =	ssyncadd.tile.s32 @!p0 $0x1;
	_ =	shalt  }
.Lfunc_end2:
_tile_overlayer_lowered:
.L_overlay_start_2:
0x1bc: {  	(tag) =	ssettag $0x2  }
0x1bd: {  	s0 =	rddreg [dreg:$0x0];
	s2 =	stileid.u32  }
0x1be: {  	s1 =	rddreg [dreg:$0x1];
	p0 =	sne.s32 s2, $0x0  }
0x1bf: {  	s3 =	rddreg [dreg:$0x2];
	[bflag:$0x3] =	sbarrier.arrive $0xFFFF;
	s2 =	simm.s32 @!p0 $0x1C05  }
0x1c0: {  	[timem:s3], [sflag:s2] =	dma.local @!p0 [hbm:s0], s1  }
0x1c1: {  	s0 =	simm.s32 @!p0 $0x5  }
0x1c2: {  	_ =	swait.ge @!p0 [sflag:s0], s1  }
0x1c3: {  	s1 =	ssub.s32 @!p0 $0x0, s1;
	[sflag:s0] =	ssyncset.done @!p0 $0x0  }
0x1c4: {  	[sflag:s0] =	ssyncadd.s32 @!p0 s1  }
0x1c5: {  	[bflag:$0x3] =	sbarrier.arrive $0xFFFF  }
0x1c6: {  	_ =	shalt  }

</sc_bundles>
